<compile_context>
chip_gen: v7x
topology: tpu7x:2x2x1
jax: 0.10.2.dev20260603
libtpu: 0.0.44.dev20260713+nightly
codegen_flags: <defaults>
</compile_context>

<pallas_src>
import functools

import jax
import jax.numpy as jnp
from jax import lax
from jax.experimental import pallas as pl
from jax.experimental.pallas import tpu as pltpu
from jax.experimental.pallas import tpu_sc as plsc

LOSS_WEIGHT = 1.0
NEG_FILL = -40.0

N_ROWS = 100000
N_COLS = 80

_NC, _NS, _L = 2, 16, 16
_NW = _NC * _NS
_PER_W = 3200
_NPAD = _NW * _PER_W
_RCHUNK = 400
_NCHUNK = _PER_W // _RCHUNK

_LN2 = 0.6931471805599453


def _fsum_scaled(x):
    th = jnp.tanh(0.5 * x)
    h = 0.5 * th
    sig = 0.5 + h
    m = 0.5 - h
    return jnp.sum(sig * sig * jnp.log2(m), axis=(0, 1), keepdims=True)


def _dense_sum_kernel(x_ref, out_ref):
    i = pl.program_id(0)
    partial = _fsum_scaled(x_ref[...])

    @pl.when(i == 0)
    def _():
        out_ref[...] = jnp.zeros_like(out_ref)

    out_ref[...] += partial


def _small_sum_kernel(g_ref, out_ref):
    out_ref[...] = _fsum_scaled(g_ref[...])


def _sc_gather_kernel(x_hbm, lbl_hbm, out_hbm, lbl_v, rows_v, g_v):
    wid = lax.axis_index("s") * _NC + lax.axis_index("c")
    base = wid * _PER_W
    pltpu.sync_copy(lbl_hbm.at[pl.ds(base, _PER_W)], lbl_v)

    iota = lax.iota(jnp.int32, _L)
    for chunk in range(_NCHUNK):
        chunk_base = base + chunk * _RCHUNK
        dma_base = jnp.minimum(chunk_base, N_ROWS - _RCHUNK)
        pltpu.sync_copy(x_hbm.at[pl.ds(dma_base, _RCHUNK)], rows_v)
        off = chunk_base - dma_base

        def body(i, _, chunk=chunk, off=off):
            l = lbl_v[pl.ds(chunk * _RCHUNK + i * _L, _L)]
            local_raw = off + i * _L + iota
            valid = (l < N_COLS) & (local_raw < _RCHUNK)
            l_safe = jnp.where(valid, l, 0)
            local = jnp.minimum(local_raw, _RCHUNK - 1)
            got = plsc.load_gather(rows_v, [local, l_safe])
            g_v[pl.ds(chunk * _RCHUNK + i * _L, _L)] = jnp.where(
                valid, got, NEG_FILL
            )
            return _

        lax.fori_loop(0, _RCHUNK // _L, body, None, unroll=5)

    pltpu.sync_copy(g_v, out_hbm.at[wid])


def kernel(cls_pred, cls_label):
    N, C = cls_pred.shape

    s1 = pl.pallas_call(
        _dense_sum_kernel,
        grid=(10,),
        in_specs=[pl.BlockSpec((N // 10, C), lambda i: (i, 0))],
        out_specs=pl.BlockSpec((1, 1), lambda i: (0, 0)),
        out_shape=jax.ShapeDtypeStruct((1, 1), jnp.float32),
    )(cls_pred)

    lbl = cls_label.astype(jnp.int32)
    lblp = jnp.concatenate([lbl, jnp.full((_NPAD - N,), C, jnp.int32)])

    mesh = plsc.VectorSubcoreMesh(core_axis_name="c", subcore_axis_name="s")
    g = pl.kernel(
        _sc_gather_kernel,
        mesh=mesh,
        out_type=jax.ShapeDtypeStruct((_NW, _PER_W), jnp.float32),
        scratch_types=[
            pltpu.VMEM((_PER_W,), jnp.int32),
            pltpu.VMEM((_RCHUNK, N_COLS), jnp.float32),
            pltpu.VMEM((_PER_W,), jnp.float32),
        ],
        compiler_params=pltpu.CompilerParams(
            use_tc_tiling_on_sc=True, needs_layout_passes=False
        ),
    )(cls_pred, lblp)

    s2 = pl.pallas_call(
        _small_sum_kernel,
        grid=(1,),
        in_specs=[pl.BlockSpec(g.shape, lambda i: (0, 0))],
        out_specs=pl.BlockSpec((1, 1), lambda i: (0, 0)),
        out_shape=jax.ShapeDtypeStruct((1, 1), jnp.float32),
    )(g)

    return (-_LN2 * LOSS_WEIGHT / (N * C)) * (0.75 * s1[0, 0] - 0.5 * s2[0, 0])

# --- scband reference (transcript-rebuilt; emitter-appended) ---
"""Pipeline reference for scband-binary-cls-loss-5574867550550 (READ-ONLY COPY).

The authoritative reference and input builder live on the scoring server;
editing this copy changes nothing except your own understanding.
"""

import jax, jax.numpy as jnp
import numpy as np

ALPHA = 0.25
BETA = 2.0
LOSS_WEIGHT = 1.0

def setup_inputs(seed: int = 0) -> dict:
    key = jax.random.key(seed)
    k1, k2 = jax.random.split(key)
    N, C = 100000, 80
    cls_pred = jax.random.normal(k1, (N, C), dtype=jnp.float32)
    # labels in [0, C]; values == C are background (negatives)
    cls_label = jax.random.randint(k2, (N,), 0, C + 1, dtype=jnp.int64)
    return {"cls_pred": cls_pred, "cls_label": cls_label}

def _qfl_func(cls_pred, iou, label, neg_label):
    # quality-focal-loss style binary term: BCE-with-logits against iou target,
    # modulated by |iou - p|^beta for positives and p^beta for negatives
    p = jax.nn.sigmoid(cls_pred)
    # numerically stable BCE with logits, target = iou
    bce = jnp.maximum(cls_pred, 0.0) - cls_pred * iou + jnp.log1p(jnp.exp(-jnp.abs(cls_pred)))
    focal_weight = label * jnp.abs(iou - p) ** BETA + neg_label * (p ** BETA)
    return bce * focal_weight

def reference(cls_pred, cls_label):
    N, C = cls_pred.shape
    bg_class_ind = C
    pos_mask = ((cls_label >= 0) & (cls_label < bg_class_ind)).astype(cls_pred.dtype)
    rows = jnp.arange(N)
    lbl_clipped = jnp.clip(cls_label, 0, C - 1)
    # one-hot positive label matrix (scatter-overwrite)
    label = jnp.zeros_like(cls_pred).at[rows, lbl_clipped].set(pos_mask)
    # pos_ious is None in this configuration -> iou stays zero
    iou = jnp.zeros_like(cls_pred)
    loss = _qfl_func(cls_pred, iou, label, 1.0 - label)
    # alpha weighting (alpha >= 0)
    alpha_t = ALPHA * label + (1.0 - ALPHA) * (1.0 - label)
    loss = alpha_t * loss
    # weight=None, avg_factor=None, reduction='mean'
    loss = jnp.mean(loss)
    return LOSS_WEIGHT * loss

if __name__ == "__main__":
    import jax
    _d = setup_inputs()
    print(jax.jit(kernel)(*tuple(_d.values())))

</pallas_src>

<mosaic_0001>
#map = affine_map<(d0, d1) -> (0, 0)>
#map1 = affine_map<(d0, d1) -> (0)>
module attributes {stable_mosaic.version = 14 : i64} {
  func.func @_sc_gather_kernel(%arg0: i32, %arg1: i32, %arg2: memref<100000x80xf32, #tpu.memory_space<hbm>>, %arg3: memref<102400xi32, #tpu.memory_space<hbm>>, %arg4: memref<32x3200xf32, #tpu.memory_space<hbm>>, %arg5: memref<3200xi32, #tpu.memory_space<vmem>>, %arg6: memref<400x80xf32, #tpu.memory_space<vmem>>, %arg7: memref<3200xf32, #tpu.memory_space<vmem>>) attributes {dimension_semantics = [#tpu.dimension_semantics<core_parallel>, #tpu.dimension_semantics<subcore_parallel>], iteration_bounds = array<i64: 2, 16>, scalar_prefetch = 0 : i64, scratch_operands = 3 : i64, tpu.core_type = #tpu.core_type<sc_vector_subcore>, window_params = [{transform_indices = #map}, {transform_indices = #map1}, {transform_indices = #map}]} {
    %mul3A = arith.constant 2 : i32
    %mul3A_0 = arith.muli %arg1, %mul3A : i32
    %add3A = arith.addi %mul3A_0, %arg0 : i32
    %mul3A_1 = arith.constant 3200 : i32
    %mul3A_2 = arith.muli %add3A, %mul3A_1 : i32
    "tpu.region"() ({
      %run_scoped3A = tpu.sem_alloc : memref<!tpu.dma_semaphore, #tpu.memory_space<semaphore_mem>>
      %dma_start3A = tpu.memref_slice %arg3[%mul3A_2] : memref<102400xi32, #tpu.memory_space<hbm>> -> memref<3200xi32, #tpu.memory_space<hbm>>
      %dma_start3A_80 = tpu.memref_slice %arg3[%mul3A_2] : memref<102400xi32, #tpu.memory_space<hbm>> -> memref<3200xi32, #tpu.memory_space<hbm>>
      tpu.enqueue_dma source(%dma_start3A_80 : memref<3200xi32, #tpu.memory_space<hbm>>) target(%arg5 : memref<3200xi32, #tpu.memory_space<vmem>>) target_semaphore(%run_scoped3A : memref<!tpu.dma_semaphore, #tpu.memory_space<semaphore_mem>>)
      %dma_wait3A = tpu.memref_slice %arg3[%mul3A_2] : memref<102400xi32, #tpu.memory_space<hbm>> -> memref<3200xi32, #tpu.memory_space<hbm>>
      %dma_wait3A_81 = tpu.memref_slice %arg3[%mul3A_2] : memref<102400xi32, #tpu.memory_space<hbm>> -> memref<3200xi32, #tpu.memory_space<hbm>>
      tpu.wait_dma2 semaphore(%run_scoped3A : memref<!tpu.dma_semaphore, #tpu.memory_space<semaphore_mem>>) src(%dma_wait3A_81 : memref<3200xi32, #tpu.memory_space<hbm>>) dst(%arg5 : memref<3200xi32, #tpu.memory_space<vmem>>)
      tpu.yield
    }) : () -> ()
    %iota3A = tpu.iota {dimensions = array<i32: 0>} : vector<16xi32>
    %add3A_3 = arith.constant 0 : i32
    %add3A_4 = arith.addi %mul3A_2, %add3A_3 : i32
    %min3A = arith.constant 99600 : i32
    %min3A_5 = arith.minsi %add3A_4, %min3A : i32
    "tpu.region"() ({
      %run_scoped3A = tpu.sem_alloc : memref<!tpu.dma_semaphore, #tpu.memory_space<semaphore_mem>>
      %dma_start3A = arith.constant 0 : i32
      %dma_start3A_80 = tpu.memref_slice %arg2[%min3A_5, %dma_start3A] : memref<100000x80xf32, #tpu.memory_space<hbm>> -> memref<400x80xf32, #tpu.memory_space<hbm>>
      %dma_start3A_81 = arith.constant 0 : i32
      %dma_start3A_82 = tpu.memref_slice %arg2[%min3A_5, %dma_start3A_81] : memref<100000x80xf32, #tpu.memory_space<hbm>> -> memref<400x80xf32, #tpu.memory_space<hbm>>
      tpu.enqueue_dma source(%dma_start3A_82 : memref<400x80xf32, #tpu.memory_space<hbm>>) target(%arg6 : memref<400x80xf32, #tpu.memory_space<vmem>>) target_semaphore(%run_scoped3A : memref<!tpu.dma_semaphore, #tpu.memory_space<semaphore_mem>>)
      %dma_wait3A = arith.constant 0 : i32
      %dma_wait3A_83 = tpu.memref_slice %arg2[%min3A_5, %dma_wait3A] : memref<100000x80xf32, #tpu.memory_space<hbm>> -> memref<400x80xf32, #tpu.memory_space<hbm>>
      %dma_wait3A_84 = arith.constant 0 : i32
      %dma_wait3A_85 = tpu.memref_slice %arg2[%min3A_5, %dma_wait3A_84] : memref<100000x80xf32, #tpu.memory_space<hbm>> -> memref<400x80xf32, #tpu.memory_space<hbm>>
      tpu.wait_dma2 semaphore(%run_scoped3A : memref<!tpu.dma_semaphore, #tpu.memory_space<semaphore_mem>>) src(%dma_wait3A_85 : memref<400x80xf32, #tpu.memory_space<hbm>>) dst(%arg6 : memref<400x80xf32, #tpu.memory_space<vmem>>)
      tpu.yield
    }) : () -> ()
    %sub3A = arith.subi %add3A_4, %min3A_5 : i32
    %scan3A = arith.constant 0 : i32
    %scan3A_6 = arith.constant 25 : i32
    %scan3A_7 = arith.addi %scan3A, %scan3A_6 : i32
    %scan3A_8 = arith.constant 5 : i32
    scf.for %scan3A_80 = %scan3A to %scan3A_7 step %scan3A_8  : i32 {
      %mul3A_81 = arith.constant 16 : i32
      %mul3A_82 = arith.muli %scan3A_80, %mul3A_81 : i32
      %add3A_83 = arith.constant 0 : i32
      %add3A_84 = arith.addi %add3A_83, %mul3A_82 : i32
      %get3A = arith.index_cast %add3A_84 : i32 to index
      %get3A_85 = tpu.vector_load %arg5[%get3A] {strides = array<i32>} : memref<3200xi32, #tpu.memory_space<vmem>>, vector<16xi32>,
      %mul3A_86 = arith.constant 16 : i32
      %mul3A_87 = arith.muli %scan3A_80, %mul3A_86 : i32
      %add3A_88 = arith.addi %sub3A, %mul3A_87 : i32
      %add3A_89 = vector.broadcast %add3A_88 : i32 to vector<16xi32>
      %add3A_90 = arith.addi %add3A_89, %iota3A : vector<16xi32>
      %lt3A = arith.constant 80 : i32
      %lt3A_91 = vector.broadcast %lt3A : i32 to vector<16xi32>
      %lt3A_92 = arith.cmpi slt, %get3A_85, %lt3A_91 : vector<16xi32>
      %lt3A_93 = arith.constant 400 : i32
      %lt3A_94 = vector.broadcast %lt3A_93 : i32 to vector<16xi32>
      %lt3A_95 = arith.cmpi slt, %add3A_90, %lt3A_94 : vector<16xi32>
      %and3A = arith.andi %lt3A_92, %lt3A_95 : vector<16xi1>
      %jit3A = arith.constant 0 : i32
      %broadcast_in_dim3A = vector.broadcast %jit3A : i32 to vector<16xi32>
      %select_n3A = arith.select %and3A, %get3A_85, %broadcast_in_dim3A : vector<16xi1>, vector<16xi32>
      %min3A_96 = arith.constant 399 : i32
      %min3A_97 = vector.broadcast %min3A_96 : i32 to vector<16xi32>
      %min3A_98 = arith.minsi %add3A_90, %min3A_97 : vector<16xi32>
      %gather3A = tpu.vector_load_idx %arg6[%min3A_98, %select_n3A] : memref<400x80xf32, #tpu.memory_space<vmem>>[vector<16xi32>, vector<16xi32>], vector<16xf32>,
      %jit3A_99 = arith.constant -4.000000e+01 : f32
      %broadcast_in_dim3A_100 = vector.broadcast %jit3A_99 : f32 to vector<16xf32>
      %select_n3A_101 = arith.select %and3A, %gather3A, %broadcast_in_dim3A_100 : vector<16xi1>, vector<16xf32>
      %mul3A_102 = arith.constant 16 : i32
      %mul3A_103 = arith.muli %scan3A_80, %mul3A_102 : i32
      %add3A_104 = arith.constant 0 : i32
      %add3A_105 = arith.addi %add3A_104, %mul3A_103 : i32
      %swap3A = arith.index_cast %add3A_105 : i32 to index
      %swap3A_106 = tpu.vector_load %arg7[%swap3A] {strides = array<i32>} : memref<3200xf32, #tpu.memory_space<vmem>>, vector<16xf32>,
      tpu.vector_store %arg7[%swap3A], %select_n3A_101 {strides = array<i32>} : memref<3200xf32, #tpu.memory_space<vmem>>, vector<16xf32>,
      %scan3A_107 = arith.constant 1 : i32
      %scan3A_108 = arith.addi %scan3A_80, %scan3A_107 : i32
      %mul3A_109 = arith.constant 16 : i32
      %mul3A_110 = arith.muli %scan3A_108, %mul3A_109 : i32
      %add3A_111 = arith.constant 0 : i32
      %add3A_112 = arith.addi %add3A_111, %mul3A_110 : i32
      %get3A_113 = arith.index_cast %add3A_112 : i32 to index
      %get3A_114 = tpu.vector_load %arg5[%get3A_113] {strides = array<i32>} : memref<3200xi32, #tpu.memory_space<vmem>>, vector<16xi32>,
      %mul3A_115 = arith.constant 16 : i32
      %mul3A_116 = arith.muli %scan3A_108, %mul3A_115 : i32
      %add3A_117 = arith.addi %sub3A, %mul3A_116 : i32
      %add3A_118 = vector.broadcast %add3A_117 : i32 to vector<16xi32>
      %add3A_119 = arith.addi %add3A_118, %iota3A : vector<16xi32>
      %lt3A_120 = arith.constant 80 : i32
      %lt3A_121 = vector.broadcast %lt3A_120 : i32 to vector<16xi32>
      %lt3A_122 = arith.cmpi slt, %get3A_114, %lt3A_121 : vector<16xi32>
      %lt3A_123 = arith.constant 400 : i32
      %lt3A_124 = vector.broadcast %lt3A_123 : i32 to vector<16xi32>
      %lt3A_125 = arith.cmpi slt, %add3A_119, %lt3A_124 : vector<16xi32>
      %and3A_126 = arith.andi %lt3A_122, %lt3A_125 : vector<16xi1>
      %jit3A_127 = arith.constant 0 : i32
      %broadcast_in_dim3A_128 = vector.broadcast %jit3A_127 : i32 to vector<16xi32>
      %select_n3A_129 = arith.select %and3A_126, %get3A_114, %broadcast_in_dim3A_128 : vector<16xi1>, vector<16xi32>
      %min3A_130 = arith.constant 399 : i32
      %min3A_131 = vector.broadcast %min3A_130 : i32 to vector<16xi32>
      %min3A_132 = arith.minsi %add3A_119, %min3A_131 : vector<16xi32>
      %gather3A_133 = tpu.vector_load_idx %arg6[%min3A_132, %select_n3A_129] : memref<400x80xf32, #tpu.memory_space<vmem>>[vector<16xi32>, vector<16xi32>], vector<16xf32>,
      %jit3A_134 = arith.constant -4.000000e+01 : f32
      %broadcast_in_dim3A_135 = vector.broadcast %jit3A_134 : f32 to vector<16xf32>
      %select_n3A_136 = arith.select %and3A_126, %gather3A_133, %broadcast_in_dim3A_135 : vector<16xi1>, vector<16xf32>
      %mul3A_137 = arith.constant 16 : i32
      %mul3A_138 = arith.muli %scan3A_108, %mul3A_137 : i32
      %add3A_139 = arith.constant 0 : i32
      %add3A_140 = arith.addi %add3A_139, %mul3A_138 : i32
      %swap3A_141 = arith.index_cast %add3A_140 : i32 to index
      %swap3A_142 = tpu.vector_load %arg7[%swap3A_141] {strides = array<i32>} : memref<3200xf32, #tpu.memory_space<vmem>>, vector<16xf32>,
      tpu.vector_store %arg7[%swap3A_141], %select_n3A_136 {strides = array<i32>} : memref<3200xf32, #tpu.memory_space<vmem>>, vector<16xf32>,
      %scan3A_143 = arith.constant 2 : i32
      %scan3A_144 = arith.addi %scan3A_80, %scan3A_143 : i32
      %mul3A_145 = arith.constant 16 : i32
      %mul3A_146 = arith.muli %scan3A_144, %mul3A_145 : i32
      %add3A_147 = arith.constant 0 : i32
      %add3A_148 = arith.addi %add3A_147, %mul3A_146 : i32
      %get3A_149 = arith.index_cast %add3A_148 : i32 to index
      %get3A_150 = tpu.vector_load %arg5[%get3A_149] {strides = array<i32>} : memref<3200xi32, #tpu.memory_space<vmem>>, vector<16xi32>,
      %mul3A_151 = arith.constant 16 : i32
      %mul3A_152 = arith.muli %scan3A_144, %mul3A_151 : i32
      %add3A_153 = arith.addi %sub3A, %mul3A_152 : i32
      %add3A_154 = vector.broadcast %add3A_153 : i32 to vector<16xi32>
      %add3A_155 = arith.addi %add3A_154, %iota3A : vector<16xi32>
      %lt3A_156 = arith.constant 80 : i32
      %lt3A_157 = vector.broadcast %lt3A_156 : i32 to vector<16xi32>
      %lt3A_158 = arith.cmpi slt, %get3A_150, %lt3A_157 : vector<16xi32>
      %lt3A_159 = arith.constant 400 : i32
      %lt3A_160 = vector.broadcast %lt3A_159 : i32 to vector<16xi32>
      %lt3A_161 = arith.cmpi slt, %add3A_155, %lt3A_160 : vector<16xi32>
      %and3A_162 = arith.andi %lt3A_158, %lt3A_161 : vector<16xi1>
      %jit3A_163 = arith.constant 0 : i32
      %broadcast_in_dim3A_164 = vector.broadcast %jit3A_163 : i32 to vector<16xi32>
      %select_n3A_165 = arith.select %and3A_162, %get3A_150, %broadcast_in_dim3A_164 : vector<16xi1>, vector<16xi32>
      %min3A_166 = arith.constant 399 : i32
      %min3A_167 = vector.broadcast %min3A_166 : i32 to vector<16xi32>
      %min3A_168 = arith.minsi %add3A_155, %min3A_167 : vector<16xi32>
      %gather3A_169 = tpu.vector_load_idx %arg6[%min3A_168, %select_n3A_165] : memref<400x80xf32, #tpu.memory_space<vmem>>[vector<16xi32>, vector<16xi32>], vector<16xf32>,
      %jit3A_170 = arith.constant -4.000000e+01 : f32
      %broadcast_in_dim3A_171 = vector.broadcast %jit3A_170 : f32 to vector<16xf32>
      %select_n3A_172 = arith.select %and3A_162, %gather3A_169, %broadcast_in_dim3A_171 : vector<16xi1>, vector<16xf32>
      %mul3A_173 = arith.constant 16 : i32
      %mul3A_174 = arith.muli %scan3A_144, %mul3A_173 : i32
      %add3A_175 = arith.constant 0 : i32
      %add3A_176 = arith.addi %add3A_175, %mul3A_174 : i32
      %swap3A_177 = arith.index_cast %add3A_176 : i32 to index
      %swap3A_178 = tpu.vector_load %arg7[%swap3A_177] {strides = array<i32>} : memref<3200xf32, #tpu.memory_space<vmem>>, vector<16xf32>,
      tpu.vector_store %arg7[%swap3A_177], %select_n3A_172 {strides = array<i32>} : memref<3200xf32, #tpu.memory_space<vmem>>, vector<16xf32>,
      %scan3A_179 = arith.constant 3 : i32
      %scan3A_180 = arith.addi %scan3A_80, %scan3A_179 : i32
      %mul3A_181 = arith.constant 16 : i32
      %mul3A_182 = arith.muli %scan3A_180, %mul3A_181 : i32
      %add3A_183 = arith.constant 0 : i32
      %add3A_184 = arith.addi %add3A_183, %mul3A_182 : i32
      %get3A_185 = arith.index_cast %add3A_184 : i32 to index
      %get3A_186 = tpu.vector_load %arg5[%get3A_185] {strides = array<i32>} : memref<3200xi32, #tpu.memory_space<vmem>>, vector<16xi32>,
      %mul3A_187 = arith.constant 16 : i32
      %mul3A_188 = arith.muli %scan3A_180, %mul3A_187 : i32
      %add3A_189 = arith.addi %sub3A, %mul3A_188 : i32
      %add3A_190 = vector.broadcast %add3A_189 : i32 to vector<16xi32>
      %add3A_191 = arith.addi %add3A_190, %iota3A : vector<16xi32>
      %lt3A_192 = arith.constant 80 : i32
      %lt3A_193 = vector.broadcast %lt3A_192 : i32 to vector<16xi32>
      %lt3A_194 = arith.cmpi slt, %get3A_186, %lt3A_193 : vector<16xi32>
      %lt3A_195 = arith.constant 400 : i32
      %lt3A_196 = vector.broadcast %lt3A_195 : i32 to vector<16xi32>
      %lt3A_197 = arith.cmpi slt, %add3A_191, %lt3A_196 : vector<16xi32>
      %and3A_198 = arith.andi %lt3A_194, %lt3A_197 : vector<16xi1>
      %jit3A_199 = arith.constant 0 : i32
      %broadcast_in_dim3A_200 = vector.broadcast %jit3A_199 : i32 to vector<16xi32>
      %select_n3A_201 = arith.select %and3A_198, %get3A_186, %broadcast_in_dim3A_200 : vector<16xi1>, vector<16xi32>
      %min3A_202 = arith.constant 399 : i32
      %min3A_203 = vector.broadcast %min3A_202 : i32 to vector<16xi32>
      %min3A_204 = arith.minsi %add3A_191, %min3A_203 : vector<16xi32>
      %gather3A_205 = tpu.vector_load_idx %arg6[%min3A_204, %select_n3A_201] : memref<400x80xf32, #tpu.memory_space<vmem>>[vector<16xi32>, vector<16xi32>], vector<16xf32>,
      %jit3A_206 = arith.constant -4.000000e+01 : f32
      %broadcast_in_dim3A_207 = vector.broadcast %jit3A_206 : f32 to vector<16xf32>
      %select_n3A_208 = arith.select %and3A_198, %gather3A_205, %broadcast_in_dim3A_207 : vector<16xi1>, vector<16xf32>
      %mul3A_209 = arith.constant 16 : i32
      %mul3A_210 = arith.muli %scan3A_180, %mul3A_209 : i32
      %add3A_211 = arith.constant 0 : i32
      %add3A_212 = arith.addi %add3A_211, %mul3A_210 : i32
      %swap3A_213 = arith.index_cast %add3A_212 : i32 to index
      %swap3A_214 = tpu.vector_load %arg7[%swap3A_213] {strides = array<i32>} : memref<3200xf32, #tpu.memory_space<vmem>>, vector<16xf32>,
      tpu.vector_store %arg7[%swap3A_213], %select_n3A_208 {strides = array<i32>} : memref<3200xf32, #tpu.memory_space<vmem>>, vector<16xf32>,
      %scan3A_215 = arith.constant 4 : i32
      %scan3A_216 = arith.addi %scan3A_80, %scan3A_215 : i32
      %mul3A_217 = arith.constant 16 : i32
      %mul3A_218 = arith.muli %scan3A_216, %mul3A_217 : i32
      %add3A_219 = arith.constant 0 : i32
      %add3A_220 = arith.addi %add3A_219, %mul3A_218 : i32
      %get3A_221 = arith.index_cast %add3A_220 : i32 to index
      %get3A_222 = tpu.vector_load %arg5[%get3A_221] {strides = array<i32>} : memref<3200xi32, #tpu.memory_space<vmem>>, vector<16xi32>,
      %mul3A_223 = arith.constant 16 : i32
      %mul3A_224 = arith.muli %scan3A_216, %mul3A_223 : i32
      %add3A_225 = arith.addi %sub3A, %mul3A_224 : i32
      %add3A_226 = vector.broadcast %add3A_225 : i32 to vector<16xi32>
      %add3A_227 = arith.addi %add3A_226, %iota3A : vector<16xi32>
      %lt3A_228 = arith.constant 80 : i32
      %lt3A_229 = vector.broadcast %lt3A_228 : i32 to vector<16xi32>
      %lt3A_230 = arith.cmpi slt, %get3A_222, %lt3A_229 : vector<16xi32>
      %lt3A_231 = arith.constant 400 : i32
      %lt3A_232 = vector.broadcast %lt3A_231 : i32 to vector<16xi32>
      %lt3A_233 = arith.cmpi slt, %add3A_227, %lt3A_232 : vector<16xi32>
      %and3A_234 = arith.andi %lt3A_230, %lt3A_233 : vector<16xi1>
      %jit3A_235 = arith.constant 0 : i32
      %broadcast_in_dim3A_236 = vector.broadcast %jit3A_235 : i32 to vector<16xi32>
      %select_n3A_237 = arith.select %and3A_234, %get3A_222, %broadcast_in_dim3A_236 : vector<16xi1>, vector<16xi32>
      %min3A_238 = arith.constant 399 : i32
      %min3A_239 = vector.broadcast %min3A_238 : i32 to vector<16xi32>
      %min3A_240 = arith.minsi %add3A_227, %min3A_239 : vector<16xi32>
      %gather3A_241 = tpu.vector_load_idx %arg6[%min3A_240, %select_n3A_237] : memref<400x80xf32, #tpu.memory_space<vmem>>[vector<16xi32>, vector<16xi32>], vector<16xf32>,
      %jit3A_242 = arith.constant -4.000000e+01 : f32
      %broadcast_in_dim3A_243 = vector.broadcast %jit3A_242 : f32 to vector<16xf32>
      %select_n3A_244 = arith.select %and3A_234, %gather3A_241, %broadcast_in_dim3A_243 : vector<16xi1>, vector<16xf32>
      %mul3A_245 = arith.constant 16 : i32
      %mul3A_246 = arith.muli %scan3A_216, %mul3A_245 : i32
      %add3A_247 = arith.constant 0 : i32
      %add3A_248 = arith.addi %add3A_247, %mul3A_246 : i32
      %swap3A_249 = arith.index_cast %add3A_248 : i32 to index
      %swap3A_250 = tpu.vector_load %arg7[%swap3A_249] {strides = array<i32>} : memref<3200xf32, #tpu.memory_space<vmem>>, vector<16xf32>,
      tpu.vector_store %arg7[%swap3A_249], %select_n3A_244 {strides = array<i32>} : memref<3200xf32, #tpu.memory_space<vmem>>, vector<16xf32>,
    }
    %scan3A_9 = arith.constant 25 : i32
    %add3A_10 = arith.constant 400 : i32
    %add3A_11 = arith.addi %mul3A_2, %add3A_10 : i32
    %min3A_12 = arith.constant 99600 : i32
    %min3A_13 = arith.minsi %add3A_11, %min3A_12 : i32
    "tpu.region"() ({
      %run_scoped3A = tpu.sem_alloc : memref<!tpu.dma_semaphore, #tpu.memory_space<semaphore_mem>>
      %dma_start3A = arith.constant 0 : i32
      %dma_start3A_80 = tpu.memref_slice %arg2[%min3A_13, %dma_start3A] : memref<100000x80xf32, #tpu.memory_space<hbm>> -> memref<400x80xf32, #tpu.memory_space<hbm>>
      %dma_start3A_81 = arith.constant 0 : i32
      %dma_start3A_82 = tpu.memref_slice %arg2[%min3A_13, %dma_start3A_81] : memref<100000x80xf32, #tpu.memory_space<hbm>> -> memref<400x80xf32, #tpu.memory_space<hbm>>
      tpu.enqueue_dma source(%dma_start3A_82 : memref<400x80xf32, #tpu.memory_space<hbm>>) target(%arg6 : memref<400x80xf32, #tpu.memory_space<vmem>>) target_semaphore(%run_scoped3A : memref<!tpu.dma_semaphore, #tpu.memory_space<semaphore_mem>>)
      %dma_wait3A = arith.constant 0 : i32
      %dma_wait3A_83 = tpu.memref_slice %arg2[%min3A_13, %dma_wait3A] : memref<100000x80xf32, #tpu.memory_space<hbm>> -> memref<400x80xf32, #tpu.memory_space<hbm>>
      %dma_wait3A_84 = arith.constant 0 : i32
      %dma_wait3A_85 = tpu.memref_slice %arg2[%min3A_13, %dma_wait3A_84] : memref<100000x80xf32, #tpu.memory_space<hbm>> -> memref<400x80xf32, #tpu.memory_space<hbm>>
      tpu.wait_dma2 semaphore(%run_scoped3A : memref<!tpu.dma_semaphore, #tpu.memory_space<semaphore_mem>>) src(%dma_wait3A_85 : memref<400x80xf32, #tpu.memory_space<hbm>>) dst(%arg6 : memref<400x80xf32, #tpu.memory_space<vmem>>)
      tpu.yield
    }) : () -> ()
    %sub3A_14 = arith.subi %add3A_11, %min3A_13 : i32
    %scan3A_15 = arith.constant 0 : i32
    %scan3A_16 = arith.constant 25 : i32
    %scan3A_17 = arith.addi %scan3A_15, %scan3A_16 : i32
    %scan3A_18 = arith.constant 5 : i32
    scf.for %scan3A_80 = %scan3A_15 to %scan3A_17 step %scan3A_18  : i32 {
      %mul3A_81 = arith.constant 16 : i32
      %mul3A_82 = arith.muli %scan3A_80, %mul3A_81 : i32
      %add3A_83 = arith.constant 400 : i32
      %add3A_84 = arith.addi %add3A_83, %mul3A_82 : i32
      %get3A = arith.index_cast %add3A_84 : i32 to index
      %get3A_85 = tpu.vector_load %arg5[%get3A] {strides = array<i32>} : memref<3200xi32, #tpu.memory_space<vmem>>, vector<16xi32>,
      %mul3A_86 = arith.constant 16 : i32
      %mul3A_87 = arith.muli %scan3A_80, %mul3A_86 : i32
      %add3A_88 = arith.addi %sub3A_14, %mul3A_87 : i32
      %add3A_89 = vector.broadcast %add3A_88 : i32 to vector<16xi32>
      %add3A_90 = arith.addi %add3A_89, %iota3A : vector<16xi32>
      %lt3A = arith.constant 80 : i32
      %lt3A_91 = vector.broadcast %lt3A : i32 to vector<16xi32>
      %lt3A_92 = arith.cmpi slt, %get3A_85, %lt3A_91 : vector<16xi32>
      %lt3A_93 = arith.constant 400 : i32
      %lt3A_94 = vector.broadcast %lt3A_93 : i32 to vector<16xi32>
      %lt3A_95 = arith.cmpi slt, %add3A_90, %lt3A_94 : vector<16xi32>
      %and3A = arith.andi %lt3A_92, %lt3A_95 : vector<16xi1>
      %jit3A = arith.constant 0 : i32
      %broadcast_in_dim3A = vector.broadcast %jit3A : i32 to vector<16xi32>
      %select_n3A = arith.select %and3A, %get3A_85, %broadcast_in_dim3A : vector<16xi1>, vector<16xi32>
      %min3A_96 = arith.constant 399 : i32
      %min3A_97 = vector.broadcast %min3A_96 : i32 to vector<16xi32>
      %min3A_98 = arith.minsi %add3A_90, %min3A_97 : vector<16xi32>
      %gather3A = tpu.vector_load_idx %arg6[%min3A_98, %select_n3A] : memref<400x80xf32, #tpu.memory_space<vmem>>[vector<16xi32>, vector<16xi32>], vector<16xf32>,
      %jit3A_99 = arith.constant -4.000000e+01 : f32
      %broadcast_in_dim3A_100 = vector.broadcast %jit3A_99 : f32 to vector<16xf32>
      %select_n3A_101 = arith.select %and3A, %gather3A, %broadcast_in_dim3A_100 : vector<16xi1>, vector<16xf32>
      %mul3A_102 = arith.constant 16 : i32
      %mul3A_103 = arith.muli %scan3A_80, %mul3A_102 : i32
      %add3A_104 = arith.constant 400 : i32
      %add3A_105 = arith.addi %add3A_104, %mul3A_103 : i32
      %swap3A = arith.index_cast %add3A_105 : i32 to index
      %swap3A_106 = tpu.vector_load %arg7[%swap3A] {strides = array<i32>} : memref<3200xf32, #tpu.memory_space<vmem>>, vector<16xf32>,
      tpu.vector_store %arg7[%swap3A], %select_n3A_101 {strides = array<i32>} : memref<3200xf32, #tpu.memory_space<vmem>>, vector<16xf32>,
      %scan3A_107 = arith.constant 1 : i32
      %scan3A_108 = arith.addi %scan3A_80, %scan3A_107 : i32
      %mul3A_109 = arith.constant 16 : i32
      %mul3A_110 = arith.muli %scan3A_108, %mul3A_109 : i32
      %add3A_111 = arith.constant 400 : i32
      %add3A_112 = arith.addi %add3A_111, %mul3A_110 : i32
      %get3A_113 = arith.index_cast %add3A_112 : i32 to index
      %get3A_114 = tpu.vector_load %arg5[%get3A_113] {strides = array<i32>} : memref<3200xi32, #tpu.memory_space<vmem>>, vector<16xi32>,
      %mul3A_115 = arith.constant 16 : i32
      %mul3A_116 = arith.muli %scan3A_108, %mul3A_115 : i32
      %add3A_117 = arith.addi %sub3A_14, %mul3A_116 : i32
      %add3A_118 = vector.broadcast %add3A_117 : i32 to vector<16xi32>
      %add3A_119 = arith.addi %add3A_118, %iota3A : vector<16xi32>
      %lt3A_120 = arith.constant 80 : i32
      %lt3A_121 = vector.broadcast %lt3A_120 : i32 to vector<16xi32>
      %lt3A_122 = arith.cmpi slt, %get3A_114, %lt3A_121 : vector<16xi32>
      %lt3A_123 = arith.constant 400 : i32
      %lt3A_124 = vector.broadcast %lt3A_123 : i32 to vector<16xi32>
      %lt3A_125 = arith.cmpi slt, %add3A_119, %lt3A_124 : vector<16xi32>
      %and3A_126 = arith.andi %lt3A_122, %lt3A_125 : vector<16xi1>
      %jit3A_127 = arith.constant 0 : i32
      %broadcast_in_dim3A_128 = vector.broadcast %jit3A_127 : i32 to vector<16xi32>
      %select_n3A_129 = arith.select %and3A_126, %get3A_114, %broadcast_in_dim3A_128 : vector<16xi1>, vector<16xi32>
      %min3A_130 = arith.constant 399 : i32
      %min3A_131 = vector.broadcast %min3A_130 : i32 to vector<16xi32>
      %min3A_132 = arith.minsi %add3A_119, %min3A_131 : vector<16xi32>
      %gather3A_133 = tpu.vector_load_idx %arg6[%min3A_132, %select_n3A_129] : memref<400x80xf32, #tpu.memory_space<vmem>>[vector<16xi32>, vector<16xi32>], vector<16xf32>,
      %jit3A_134 = arith.constant -4.000000e+01 : f32
      %broadcast_in_dim3A_135 = vector.broadcast %jit3A_134 : f32 to vector<16xf32>
      %select_n3A_136 = arith.select %and3A_126, %gather3A_133, %broadcast_in_dim3A_135 : vector<16xi1>, vector<16xf32>
      %mul3A_137 = arith.constant 16 : i32
      %mul3A_138 = arith.muli %scan3A_108, %mul3A_137 : i32
      %add3A_139 = arith.constant 400 : i32
      %add3A_140 = arith.addi %add3A_139, %mul3A_138 : i32
      %swap3A_141 = arith.index_cast %add3A_140 : i32 to index
      %swap3A_142 = tpu.vector_load %arg7[%swap3A_141] {strides = array<i32>} : memref<3200xf32, #tpu.memory_space<vmem>>, vector<16xf32>,
      tpu.vector_store %arg7[%swap3A_141], %select_n3A_136 {strides = array<i32>} : memref<3200xf32, #tpu.memory_space<vmem>>, vector<16xf32>,
      %scan3A_143 = arith.constant 2 : i32
      %scan3A_144 = arith.addi %scan3A_80, %scan3A_143 : i32
      %mul3A_145 = arith.constant 16 : i32
      %mul3A_146 = arith.muli %scan3A_144, %mul3A_145 : i32
      %add3A_147 = arith.constant 400 : i32
      %add3A_148 = arith.addi %add3A_147, %mul3A_146 : i32
      %get3A_149 = arith.index_cast %add3A_148 : i32 to index
      %get3A_150 = tpu.vector_load %arg5[%get3A_149] {strides = array<i32>} : memref<3200xi32, #tpu.memory_space<vmem>>, vector<16xi32>,
      %mul3A_151 = arith.constant 16 : i32
      %mul3A_152 = arith.muli %scan3A_144, %mul3A_151 : i32
      %add3A_153 = arith.addi %sub3A_14, %mul3A_152 : i32
      %add3A_154 = vector.broadcast %add3A_153 : i32 to vector<16xi32>
      %add3A_155 = arith.addi %add3A_154, %iota3A : vector<16xi32>
      %lt3A_156 = arith.constant 80 : i32
      %lt3A_157 = vector.broadcast %lt3A_156 : i32 to vector<16xi32>
      %lt3A_158 = arith.cmpi slt, %get3A_150, %lt3A_157 : vector<16xi32>
      %lt3A_159 = arith.constant 400 : i32
      %lt3A_160 = vector.broadcast %lt3A_159 : i32 to vector<16xi32>
      %lt3A_161 = arith.cmpi slt, %add3A_155, %lt3A_160 : vector<16xi32>
      %and3A_162 = arith.andi %lt3A_158, %lt3A_161 : vector<16xi1>
      %jit3A_163 = arith.constant 0 : i32
      %broadcast_in_dim3A_164 = vector.broadcast %jit3A_163 : i32 to vector<16xi32>
      %select_n3A_165 = arith.select %and3A_162, %get3A_150, %broadcast_in_dim3A_164 : vector<16xi1>, vector<16xi32>
      %min3A_166 = arith.constant 399 : i32
      %min3A_167 = vector.broadcast %min3A_166 : i32 to vector<16xi32>
      %min3A_168 = arith.minsi %add3A_155, %min3A_167 : vector<16xi32>
      %gather3A_169 = tpu.vector_load_idx %arg6[%min3A_168, %select_n3A_165] : memref<400x80xf32, #tpu.memory_space<vmem>>[vector<16xi32>, vector<16xi32>], vector<16xf32>,
      %jit3A_170 = arith.constant -4.000000e+01 : f32
      %broadcast_in_dim3A_171 = vector.broadcast %jit3A_170 : f32 to vector<16xf32>
      %select_n3A_172 = arith.select %and3A_162, %gather3A_169, %broadcast_in_dim3A_171 : vector<16xi1>, vector<16xf32>
      %mul3A_173 = arith.constant 16 : i32
      %mul3A_174 = arith.muli %scan3A_144, %mul3A_173 : i32
      %add3A_175 = arith.constant 400 : i32
      %add3A_176 = arith.addi %add3A_175, %mul3A_174 : i32
      %swap3A_177 = arith.index_cast %add3A_176 : i32 to index
      %swap3A_178 = tpu.vector_load %arg7[%swap3A_177] {strides = array<i32>} : memref<3200xf32, #tpu.memory_space<vmem>>, vector<16xf32>,
      tpu.vector_store %arg7[%swap3A_177], %select_n3A_172 {strides = array<i32>} : memref<3200xf32, #tpu.memory_space<vmem>>, vector<16xf32>,
      %scan3A_179 = arith.constant 3 : i32
      %scan3A_180 = arith.addi %scan3A_80, %scan3A_179 : i32
      %mul3A_181 = arith.constant 16 : i32
      %mul3A_182 = arith.muli %scan3A_180, %mul3A_181 : i32
      %add3A_183 = arith.constant 400 : i32
      %add3A_184 = arith.addi %add3A_183, %mul3A_182 : i32
      %get3A_185 = arith.index_cast %add3A_184 : i32 to index
      %get3A_186 = tpu.vector_load %arg5[%get3A_185] {strides = array<i32>} : memref<3200xi32, #tpu.memory_space<vmem>>, vector<16xi32>,
      %mul3A_187 = arith.constant 16 : i32
      %mul3A_188 = arith.muli %scan3A_180, %mul3A_187 : i32
      %add3A_189 = arith.addi %sub3A_14, %mul3A_188 : i32
      %add3A_190 = vector.broadcast %add3A_189 : i32 to vector<16xi32>
      %add3A_191 = arith.addi %add3A_190, %iota3A : vector<16xi32>
      %lt3A_192 = arith.constant 80 : i32
      %lt3A_193 = vector.broadcast %lt3A_192 : i32 to vector<16xi32>
      %lt3A_194 = arith.cmpi slt, %get3A_186, %lt3A_193 : vector<16xi32>
      %lt3A_195 = arith.constant 400 : i32
      %lt3A_196 = vector.broadcast %lt3A_195 : i32 to vector<16xi32>
      %lt3A_197 = arith.cmpi slt, %add3A_191, %lt3A_196 : vector<16xi32>
      %and3A_198 = arith.andi %lt3A_194, %lt3A_197 : vector<16xi1>
      %jit3A_199 = arith.constant 0 : i32
      %broadcast_in_dim3A_200 = vector.broadcast %jit3A_199 : i32 to vector<16xi32>
      %select_n3A_201 = arith.select %and3A_198, %get3A_186, %broadcast_in_dim3A_200 : vector<16xi1>, vector<16xi32>
      %min3A_202 = arith.constant 399 : i32
      %min3A_203 = vector.broadcast %min3A_202 : i32 to vector<16xi32>
      %min3A_204 = arith.minsi %add3A_191, %min3A_203 : vector<16xi32>
      %gather3A_205 = tpu.vector_load_idx %arg6[%min3A_204, %select_n3A_201] : memref<400x80xf32, #tpu.memory_space<vmem>>[vector<16xi32>, vector<16xi32>], vector<16xf32>,
      %jit3A_206 = arith.constant -4.000000e+01 : f32
      %broadcast_in_dim3A_207 = vector.broadcast %jit3A_206 : f32 to vector<16xf32>
      %select_n3A_208 = arith.select %and3A_198, %gather3A_205, %broadcast_in_dim3A_207 : vector<16xi1>, vector<16xf32>
      %mul3A_209 = arith.constant 16 : i32
      %mul3A_210 = arith.muli %scan3A_180, %mul3A_209 : i32
      %add3A_211 = arith.constant 400 : i32
      %add3A_212 = arith.addi %add3A_211, %mul3A_210 : i32
      %swap3A_213 = arith.index_cast %add3A_212 : i32 to index
      %swap3A_214 = tpu.vector_load %arg7[%swap3A_213] {strides = array<i32>} : memref<3200xf32, #tpu.memory_space<vmem>>, vector<16xf32>,
      tpu.vector_store %arg7[%swap3A_213], %select_n3A_208 {strides = array<i32>} : memref<3200xf32, #tpu.memory_space<vmem>>, vector<16xf32>,
      %scan3A_215 = arith.constant 4 : i32
      %scan3A_216 = arith.addi %scan3A_80, %scan3A_215 : i32
      %mul3A_217 = arith.constant 16 : i32
      %mul3A_218 = arith.muli %scan3A_216, %mul3A_217 : i32
      %add3A_219 = arith.constant 400 : i32
      %add3A_220 = arith.addi %add3A_219, %mul3A_218 : i32
      %get3A_221 = arith.index_cast %add3A_220 : i32 to index
      %get3A_222 = tpu.vector_load %arg5[%get3A_221] {strides = array<i32>} : memref<3200xi32, #tpu.memory_space<vmem>>, vector<16xi32>,
      %mul3A_223 = arith.constant 16 : i32
      %mul3A_224 = arith.muli %scan3A_216, %mul3A_223 : i32
      %add3A_225 = arith.addi %sub3A_14, %mul3A_224 : i32
      %add3A_226 = vector.broadcast %add3A_225 : i32 to vector<16xi32>
      %add3A_227 = arith.addi %add3A_226, %iota3A : vector<16xi32>
      %lt3A_228 = arith.constant 80 : i32
      %lt3A_229 = vector.broadcast %lt3A_228 : i32 to vector<16xi32>
      %lt3A_230 = arith.cmpi slt, %get3A_222, %lt3A_229 : vector<16xi32>
      %lt3A_231 = arith.constant 400 : i32
      %lt3A_232 = vector.broadcast %lt3A_231 : i32 to vector<16xi32>
      %lt3A_233 = arith.cmpi slt, %add3A_227, %lt3A_232 : vector<16xi32>
      %and3A_234 = arith.andi %lt3A_230, %lt3A_233 : vector<16xi1>
      %jit3A_235 = arith.constant 0 : i32
      %broadcast_in_dim3A_236 = vector.broadcast %jit3A_235 : i32 to vector<16xi32>
      %select_n3A_237 = arith.select %and3A_234, %get3A_222, %broadcast_in_dim3A_236 : vector<16xi1>, vector<16xi32>
      %min3A_238 = arith.constant 399 : i32
      %min3A_239 = vector.broadcast %min3A_238 : i32 to vector<16xi32>
      %min3A_240 = arith.minsi %add3A_227, %min3A_239 : vector<16xi32>
      %gather3A_241 = tpu.vector_load_idx %arg6[%min3A_240, %select_n3A_237] : memref<400x80xf32, #tpu.memory_space<vmem>>[vector<16xi32>, vector<16xi32>], vector<16xf32>,
      %jit3A_242 = arith.constant -4.000000e+01 : f32
      %broadcast_in_dim3A_243 = vector.broadcast %jit3A_242 : f32 to vector<16xf32>
      %select_n3A_244 = arith.select %and3A_234, %gather3A_241, %broadcast_in_dim3A_243 : vector<16xi1>, vector<16xf32>
      %mul3A_245 = arith.constant 16 : i32
      %mul3A_246 = arith.muli %scan3A_216, %mul3A_245 : i32
      %add3A_247 = arith.constant 400 : i32
      %add3A_248 = arith.addi %add3A_247, %mul3A_246 : i32
      %swap3A_249 = arith.index_cast %add3A_248 : i32 to index
      %swap3A_250 = tpu.vector_load %arg7[%swap3A_249] {strides = array<i32>} : memref<3200xf32, #tpu.memory_space<vmem>>, vector<16xf32>,
      tpu.vector_store %arg7[%swap3A_249], %select_n3A_244 {strides = array<i32>} : memref<3200xf32, #tpu.memory_space<vmem>>, vector<16xf32>,
    }
    %scan3A_19 = arith.constant 25 : i32
    %add3A_20 = arith.constant 800 : i32
    %add3A_21 = arith.addi %mul3A_2, %add3A_20 : i32
    %min3A_22 = arith.constant 99600 : i32
    %min3A_23 = arith.minsi %add3A_21, %min3A_22 : i32
    "tpu.region"() ({
      %run_scoped3A = tpu.sem_alloc : memref<!tpu.dma_semaphore, #tpu.memory_space<semaphore_mem>>
      %dma_start3A = arith.constant 0 : i32
      %dma_start3A_80 = tpu.memref_slice %arg2[%min3A_23, %dma_start3A] : memref<100000x80xf32, #tpu.memory_space<hbm>> -> memref<400x80xf32, #tpu.memory_space<hbm>>
      %dma_start3A_81 = arith.constant 0 : i32
      %dma_start3A_82 = tpu.memref_slice %arg2[%min3A_23, %dma_start3A_81] : memref<100000x80xf32, #tpu.memory_space<hbm>> -> memref<400x80xf32, #tpu.memory_space<hbm>>
      tpu.enqueue_dma source(%dma_start3A_82 : memref<400x80xf32, #tpu.memory_space<hbm>>) target(%arg6 : memref<400x80xf32, #tpu.memory_space<vmem>>) target_semaphore(%run_scoped3A : memref<!tpu.dma_semaphore, #tpu.memory_space<semaphore_mem>>)
      %dma_wait3A = arith.constant 0 : i32
      %dma_wait3A_83 = tpu.memref_slice %arg2[%min3A_23, %dma_wait3A] : memref<100000x80xf32, #tpu.memory_space<hbm>> -> memref<400x80xf32, #tpu.memory_space<hbm>>
      %dma_wait3A_84 = arith.constant 0 : i32
      %dma_wait3A_85 = tpu.memref_slice %arg2[%min3A_23, %dma_wait3A_84] : memref<100000x80xf32, #tpu.memory_space<hbm>> -> memref<400x80xf32, #tpu.memory_space<hbm>>
      tpu.wait_dma2 semaphore(%run_scoped3A : memref<!tpu.dma_semaphore, #tpu.memory_space<semaphore_mem>>) src(%dma_wait3A_85 : memref<400x80xf32, #tpu.memory_space<hbm>>) dst(%arg6 : memref<400x80xf32, #tpu.memory_space<vmem>>)
      tpu.yield
    }) : () -> ()
    %sub3A_24 = arith.subi %add3A_21, %min3A_23 : i32
    %scan3A_25 = arith.constant 0 : i32
    %scan3A_26 = arith.constant 25 : i32
    %scan3A_27 = arith.addi %scan3A_25, %scan3A_26 : i32
    %scan3A_28 = arith.constant 5 : i32
    scf.for %scan3A_80 = %scan3A_25 to %scan3A_27 step %scan3A_28  : i32 {
      %mul3A_81 = arith.constant 16 : i32
      %mul3A_82 = arith.muli %scan3A_80, %mul3A_81 : i32
      %add3A_83 = arith.constant 800 : i32
      %add3A_84 = arith.addi %add3A_83, %mul3A_82 : i32
      %get3A = arith.index_cast %add3A_84 : i32 to index
      %get3A_85 = tpu.vector_load %arg5[%get3A] {strides = array<i32>} : memref<3200xi32, #tpu.memory_space<vmem>>, vector<16xi32>,
      %mul3A_86 = arith.constant 16 : i32
      %mul3A_87 = arith.muli %scan3A_80, %mul3A_86 : i32
      %add3A_88 = arith.addi %sub3A_24, %mul3A_87 : i32
      %add3A_89 = vector.broadcast %add3A_88 : i32 to vector<16xi32>
      %add3A_90 = arith.addi %add3A_89, %iota3A : vector<16xi32>
      %lt3A = arith.constant 80 : i32
      %lt3A_91 = vector.broadcast %lt3A : i32 to vector<16xi32>
      %lt3A_92 = arith.cmpi slt, %get3A_85, %lt3A_91 : vector<16xi32>
      %lt3A_93 = arith.constant 400 : i32
      %lt3A_94 = vector.broadcast %lt3A_93 : i32 to vector<16xi32>
      %lt3A_95 = arith.cmpi slt, %add3A_90, %lt3A_94 : vector<16xi32>
      %and3A = arith.andi %lt3A_92, %lt3A_95 : vector<16xi1>
      %jit3A = arith.constant 0 : i32
      %broadcast_in_dim3A = vector.broadcast %jit3A : i32 to vector<16xi32>
      %select_n3A = arith.select %and3A, %get3A_85, %broadcast_in_dim3A : vector<16xi1>, vector<16xi32>
      %min3A_96 = arith.constant 399 : i32
      %min3A_97 = vector.broadcast %min3A_96 : i32 to vector<16xi32>
      %min3A_98 = arith.minsi %add3A_90, %min3A_97 : vector<16xi32>
      %gather3A = tpu.vector_load_idx %arg6[%min3A_98, %select_n3A] : memref<400x80xf32, #tpu.memory_space<vmem>>[vector<16xi32>, vector<16xi32>], vector<16xf32>,
      %jit3A_99 = arith.constant -4.000000e+01 : f32
      %broadcast_in_dim3A_100 = vector.broadcast %jit3A_99 : f32 to vector<16xf32>
      %select_n3A_101 = arith.select %and3A, %gather3A, %broadcast_in_dim3A_100 : vector<16xi1>, vector<16xf32>
      %mul3A_102 = arith.constant 16 : i32
      %mul3A_103 = arith.muli %scan3A_80, %mul3A_102 : i32
      %add3A_104 = arith.constant 800 : i32
      %add3A_105 = arith.addi %add3A_104, %mul3A_103 : i32
      %swap3A = arith.index_cast %add3A_105 : i32 to index
      %swap3A_106 = tpu.vector_load %arg7[%swap3A] {strides = array<i32>} : memref<3200xf32, #tpu.memory_space<vmem>>, vector<16xf32>,
      tpu.vector_store %arg7[%swap3A], %select_n3A_101 {strides = array<i32>} : memref<3200xf32, #tpu.memory_space<vmem>>, vector<16xf32>,
      %scan3A_107 = arith.constant 1 : i32
      %scan3A_108 = arith.addi %scan3A_80, %scan3A_107 : i32
      %mul3A_109 = arith.constant 16 : i32
      %mul3A_110 = arith.muli %scan3A_108, %mul3A_109 : i32
      %add3A_111 = arith.constant 800 : i32
      %add3A_112 = arith.addi %add3A_111, %mul3A_110 : i32
      %get3A_113 = arith.index_cast %add3A_112 : i32 to index
      %get3A_114 = tpu.vector_load %arg5[%get3A_113] {strides = array<i32>} : memref<3200xi32, #tpu.memory_space<vmem>>, vector<16xi32>,
      %mul3A_115 = arith.constant 16 : i32
      %mul3A_116 = arith.muli %scan3A_108, %mul3A_115 : i32
      %add3A_117 = arith.addi %sub3A_24, %mul3A_116 : i32
      %add3A_118 = vector.broadcast %add3A_117 : i32 to vector<16xi32>
      %add3A_119 = arith.addi %add3A_118, %iota3A : vector<16xi32>
      %lt3A_120 = arith.constant 80 : i32
      %lt3A_121 = vector.broadcast %lt3A_120 : i32 to vector<16xi32>
      %lt3A_122 = arith.cmpi slt, %get3A_114, %lt3A_121 : vector<16xi32>
      %lt3A_123 = arith.constant 400 : i32
      %lt3A_124 = vector.broadcast %lt3A_123 : i32 to vector<16xi32>
      %lt3A_125 = arith.cmpi slt, %add3A_119, %lt3A_124 : vector<16xi32>
      %and3A_126 = arith.andi %lt3A_122, %lt3A_125 : vector<16xi1>
      %jit3A_127 = arith.constant 0 : i32
      %broadcast_in_dim3A_128 = vector.broadcast %jit3A_127 : i32 to vector<16xi32>
      %select_n3A_129 = arith.select %and3A_126, %get3A_114, %broadcast_in_dim3A_128 : vector<16xi1>, vector<16xi32>
      %min3A_130 = arith.constant 399 : i32
      %min3A_131 = vector.broadcast %min3A_130 : i32 to vector<16xi32>
      %min3A_132 = arith.minsi %add3A_119, %min3A_131 : vector<16xi32>
      %gather3A_133 = tpu.vector_load_idx %arg6[%min3A_132, %select_n3A_129] : memref<400x80xf32, #tpu.memory_space<vmem>>[vector<16xi32>, vector<16xi32>], vector<16xf32>,
      %jit3A_134 = arith.constant -4.000000e+01 : f32
      %broadcast_in_dim3A_135 = vector.broadcast %jit3A_134 : f32 to vector<16xf32>
      %select_n3A_136 = arith.select %and3A_126, %gather3A_133, %broadcast_in_dim3A_135 : vector<16xi1>, vector<16xf32>
      %mul3A_137 = arith.constant 16 : i32
      %mul3A_138 = arith.muli %scan3A_108, %mul3A_137 : i32
      %add3A_139 = arith.constant 800 : i32
      %add3A_140 = arith.addi %add3A_139, %mul3A_138 : i32
      %swap3A_141 = arith.index_cast %add3A_140 : i32 to index
      %swap3A_142 = tpu.vector_load %arg7[%swap3A_141] {strides = array<i32>} : memref<3200xf32, #tpu.memory_space<vmem>>, vector<16xf32>,
      tpu.vector_store %arg7[%swap3A_141], %select_n3A_136 {strides = array<i32>} : memref<3200xf32, #tpu.memory_space<vmem>>, vector<16xf32>,
      %scan3A_143 = arith.constant 2 : i32
      %scan3A_144 = arith.addi %scan3A_80, %scan3A_143 : i32
      %mul3A_145 = arith.constant 16 : i32
      %mul3A_146 = arith.muli %scan3A_144, %mul3A_145 : i32
      %add3A_147 = arith.constant 800 : i32
      %add3A_148 = arith.addi %add3A_147, %mul3A_146 : i32
      %get3A_149 = arith.index_cast %add3A_148 : i32 to index
      %get3A_150 = tpu.vector_load %arg5[%get3A_149] {strides = array<i32>} : memref<3200xi32, #tpu.memory_space<vmem>>, vector<16xi32>,
      %mul3A_151 = arith.constant 16 : i32
      %mul3A_152 = arith.muli %scan3A_144, %mul3A_151 : i32
      %add3A_153 = arith.addi %sub3A_24, %mul3A_152 : i32
      %add3A_154 = vector.broadcast %add3A_153 : i32 to vector<16xi32>
      %add3A_155 = arith.addi %add3A_154, %iota3A : vector<16xi32>
      %lt3A_156 = arith.constant 80 : i32
      %lt3A_157 = vector.broadcast %lt3A_156 : i32 to vector<16xi32>
      %lt3A_158 = arith.cmpi slt, %get3A_150, %lt3A_157 : vector<16xi32>
      %lt3A_159 = arith.constant 400 : i32
      %lt3A_160 = vector.broadcast %lt3A_159 : i32 to vector<16xi32>
      %lt3A_161 = arith.cmpi slt, %add3A_155, %lt3A_160 : vector<16xi32>
      %and3A_162 = arith.andi %lt3A_158, %lt3A_161 : vector<16xi1>
      %jit3A_163 = arith.constant 0 : i32
      %broadcast_in_dim3A_164 = vector.broadcast %jit3A_163 : i32 to vector<16xi32>
      %select_n3A_165 = arith.select %and3A_162, %get3A_150, %broadcast_in_dim3A_164 : vector<16xi1>, vector<16xi32>
      %min3A_166 = arith.constant 399 : i32
      %min3A_167 = vector.broadcast %min3A_166 : i32 to vector<16xi32>
      %min3A_168 = arith.minsi %add3A_155, %min3A_167 : vector<16xi32>
      %gather3A_169 = tpu.vector_load_idx %arg6[%min3A_168, %select_n3A_165] : memref<400x80xf32, #tpu.memory_space<vmem>>[vector<16xi32>, vector<16xi32>], vector<16xf32>,
      %jit3A_170 = arith.constant -4.000000e+01 : f32
      %broadcast_in_dim3A_171 = vector.broadcast %jit3A_170 : f32 to vector<16xf32>
      %select_n3A_172 = arith.select %and3A_162, %gather3A_169, %broadcast_in_dim3A_171 : vector<16xi1>, vector<16xf32>
      %mul3A_173 = arith.constant 16 : i32
      %mul3A_174 = arith.muli %scan3A_144, %mul3A_173 : i32
      %add3A_175 = arith.constant 800 : i32
      %add3A_176 = arith.addi %add3A_175, %mul3A_174 : i32
      %swap3A_177 = arith.index_cast %add3A_176 : i32 to index
      %swap3A_178 = tpu.vector_load %arg7[%swap3A_177] {strides = array<i32>} : memref<3200xf32, #tpu.memory_space<vmem>>, vector<16xf32>,
      tpu.vector_store %arg7[%swap3A_177], %select_n3A_172 {strides = array<i32>} : memref<3200xf32, #tpu.memory_space<vmem>>, vector<16xf32>,
      %scan3A_179 = arith.constant 3 : i32
      %scan3A_180 = arith.addi %scan3A_80, %scan3A_179 : i32
      %mul3A_181 = arith.constant 16 : i32
      %mul3A_182 = arith.muli %scan3A_180, %mul3A_181 : i32
      %add3A_183 = arith.constant 800 : i32
      %add3A_184 = arith.addi %add3A_183, %mul3A_182 : i32
      %get3A_185 = arith.index_cast %add3A_184 : i32 to index
      %get3A_186 = tpu.vector_load %arg5[%get3A_185] {strides = array<i32>} : memref<3200xi32, #tpu.memory_space<vmem>>, vector<16xi32>,
      %mul3A_187 = arith.constant 16 : i32
      %mul3A_188 = arith.muli %scan3A_180, %mul3A_187 : i32
      %add3A_189 = arith.addi %sub3A_24, %mul3A_188 : i32
      %add3A_190 = vector.broadcast %add3A_189 : i32 to vector<16xi32>
      %add3A_191 = arith.addi %add3A_190, %iota3A : vector<16xi32>
      %lt3A_192 = arith.constant 80 : i32
      %lt3A_193 = vector.broadcast %lt3A_192 : i32 to vector<16xi32>
      %lt3A_194 = arith.cmpi slt, %get3A_186, %lt3A_193 : vector<16xi32>
      %lt3A_195 = arith.constant 400 : i32
      %lt3A_196 = vector.broadcast %lt3A_195 : i32 to vector<16xi32>
      %lt3A_197 = arith.cmpi slt, %add3A_191, %lt3A_196 : vector<16xi32>
      %and3A_198 = arith.andi %lt3A_194, %lt3A_197 : vector<16xi1>
      %jit3A_199 = arith.constant 0 : i32
      %broadcast_in_dim3A_200 = vector.broadcast %jit3A_199 : i32 to vector<16xi32>
      %select_n3A_201 = arith.select %and3A_198, %get3A_186, %broadcast_in_dim3A_200 : vector<16xi1>, vector<16xi32>
      %min3A_202 = arith.constant 399 : i32
      %min3A_203 = vector.broadcast %min3A_202 : i32 to vector<16xi32>
      %min3A_204 = arith.minsi %add3A_191, %min3A_203 : vector<16xi32>
      %gather3A_205 = tpu.vector_load_idx %arg6[%min3A_204, %select_n3A_201] : memref<400x80xf32, #tpu.memory_space<vmem>>[vector<16xi32>, vector<16xi32>], vector<16xf32>,
      %jit3A_206 = arith.constant -4.000000e+01 : f32
      %broadcast_in_dim3A_207 = vector.broadcast %jit3A_206 : f32 to vector<16xf32>
      %select_n3A_208 = arith.select %and3A_198, %gather3A_205, %broadcast_in_dim3A_207 : vector<16xi1>, vector<16xf32>
      %mul3A_209 = arith.constant 16 : i32
      %mul3A_210 = arith.muli %scan3A_180, %mul3A_209 : i32
      %add3A_211 = arith.constant 800 : i32
      %add3A_212 = arith.addi %add3A_211, %mul3A_210 : i32
      %swap3A_213 = arith.index_cast %add3A_212 : i32 to index
      %swap3A_214 = tpu.vector_load %arg7[%swap3A_213] {strides = array<i32>} : memref<3200xf32, #tpu.memory_space<vmem>>, vector<16xf32>,
      tpu.vector_store %arg7[%swap3A_213], %select_n3A_208 {strides = array<i32>} : memref<3200xf32, #tpu.memory_space<vmem>>, vector<16xf32>,
      %scan3A_215 = arith.constant 4 : i32
      %scan3A_216 = arith.addi %scan3A_80, %scan3A_215 : i32
      %mul3A_217 = arith.constant 16 : i32
      %mul3A_218 = arith.muli %scan3A_216, %mul3A_217 : i32
      %add3A_219 = arith.constant 800 : i32
      %add3A_220 = arith.addi %add3A_219, %mul3A_218 : i32
      %get3A_221 = arith.index_cast %add3A_220 : i32 to index
      %get3A_222 = tpu.vector_load %arg5[%get3A_221] {strides = array<i32>} : memref<3200xi32, #tpu.memory_space<vmem>>, vector<16xi32>,
      %mul3A_223 = arith.constant 16 : i32
      %mul3A_224 = arith.muli %scan3A_216, %mul3A_223 : i32
      %add3A_225 = arith.addi %sub3A_24, %mul3A_224 : i32
      %add3A_226 = vector.broadcast %add3A_225 : i32 to vector<16xi32>
      %add3A_227 = arith.addi %add3A_226, %iota3A : vector<16xi32>
      %lt3A_228 = arith.constant 80 : i32
      %lt3A_229 = vector.broadcast %lt3A_228 : i32 to vector<16xi32>
      %lt3A_230 = arith.cmpi slt, %get3A_222, %lt3A_229 : vector<16xi32>
      %lt3A_231 = arith.constant 400 : i32
      %lt3A_232 = vector.broadcast %lt3A_231 : i32 to vector<16xi32>
      %lt3A_233 = arith.cmpi slt, %add3A_227, %lt3A_232 : vector<16xi32>
      %and3A_234 = arith.andi %lt3A_230, %lt3A_233 : vector<16xi1>
      %jit3A_235 = arith.constant 0 : i32
      %broadcast_in_dim3A_236 = vector.broadcast %jit3A_235 : i32 to vector<16xi32>
      %select_n3A_237 = arith.select %and3A_234, %get3A_222, %broadcast_in_dim3A_236 : vector<16xi1>, vector<16xi32>
      %min3A_238 = arith.constant 399 : i32
      %min3A_239 = vector.broadcast %min3A_238 : i32 to vector<16xi32>
      %min3A_240 = arith.minsi %add3A_227, %min3A_239 : vector<16xi32>
      %gather3A_241 = tpu.vector_load_idx %arg6[%min3A_240, %select_n3A_237] : memref<400x80xf32, #tpu.memory_space<vmem>>[vector<16xi32>, vector<16xi32>], vector<16xf32>,
      %jit3A_242 = arith.constant -4.000000e+01 : f32
      %broadcast_in_dim3A_243 = vector.broadcast %jit3A_242 : f32 to vector<16xf32>
      %select_n3A_244 = arith.select %and3A_234, %gather3A_241, %broadcast_in_dim3A_243 : vector<16xi1>, vector<16xf32>
      %mul3A_245 = arith.constant 16 : i32
      %mul3A_246 = arith.muli %scan3A_216, %mul3A_245 : i32
      %add3A_247 = arith.constant 800 : i32
      %add3A_248 = arith.addi %add3A_247, %mul3A_246 : i32
      %swap3A_249 = arith.index_cast %add3A_248 : i32 to index
      %swap3A_250 = tpu.vector_load %arg7[%swap3A_249] {strides = array<i32>} : memref<3200xf32, #tpu.memory_space<vmem>>, vector<16xf32>,
      tpu.vector_store %arg7[%swap3A_249], %select_n3A_244 {strides = array<i32>} : memref<3200xf32, #tpu.memory_space<vmem>>, vector<16xf32>,
    }
    %scan3A_29 = arith.constant 25 : i32
    %add3A_30 = arith.constant 1200 : i32
    %add3A_31 = arith.addi %mul3A_2, %add3A_30 : i32
    %min3A_32 = arith.constant 99600 : i32
    %min3A_33 = arith.minsi %add3A_31, %min3A_32 : i32
    "tpu.region"() ({
      %run_scoped3A = tpu.sem_alloc : memref<!tpu.dma_semaphore, #tpu.memory_space<semaphore_mem>>
      %dma_start3A = arith.constant 0 : i32
      %dma_start3A_80 = tpu.memref_slice %arg2[%min3A_33, %dma_start3A] : memref<100000x80xf32, #tpu.memory_space<hbm>> -> memref<400x80xf32, #tpu.memory_space<hbm>>
      %dma_start3A_81 = arith.constant 0 : i32
      %dma_start3A_82 = tpu.memref_slice %arg2[%min3A_33, %dma_start3A_81] : memref<100000x80xf32, #tpu.memory_space<hbm>> -> memref<400x80xf32, #tpu.memory_space<hbm>>
      tpu.enqueue_dma source(%dma_start3A_82 : memref<400x80xf32, #tpu.memory_space<hbm>>) target(%arg6 : memref<400x80xf32, #tpu.memory_space<vmem>>) target_semaphore(%run_scoped3A : memref<!tpu.dma_semaphore, #tpu.memory_space<semaphore_mem>>)
      %dma_wait3A = arith.constant 0 : i32
      %dma_wait3A_83 = tpu.memref_slice %arg2[%min3A_33, %dma_wait3A] : memref<100000x80xf32, #tpu.memory_space<hbm>> -> memref<400x80xf32, #tpu.memory_space<hbm>>
      %dma_wait3A_84 = arith.constant 0 : i32
      %dma_wait3A_85 = tpu.memref_slice %arg2[%min3A_33, %dma_wait3A_84] : memref<100000x80xf32, #tpu.memory_space<hbm>> -> memref<400x80xf32, #tpu.memory_space<hbm>>
      tpu.wait_dma2 semaphore(%run_scoped3A : memref<!tpu.dma_semaphore, #tpu.memory_space<semaphore_mem>>) src(%dma_wait3A_85 : memref<400x80xf32, #tpu.memory_space<hbm>>) dst(%arg6 : memref<400x80xf32, #tpu.memory_space<vmem>>)
      tpu.yield
    }) : () -> ()
    %sub3A_34 = arith.subi %add3A_31, %min3A_33 : i32
    %scan3A_35 = arith.constant 0 : i32
    %scan3A_36 = arith.constant 25 : i32
    %scan3A_37 = arith.addi %scan3A_35, %scan3A_36 : i32
    %scan3A_38 = arith.constant 5 : i32
    scf.for %scan3A_80 = %scan3A_35 to %scan3A_37 step %scan3A_38  : i32 {
      %mul3A_81 = arith.constant 16 : i32
      %mul3A_82 = arith.muli %scan3A_80, %mul3A_81 : i32
      %add3A_83 = arith.constant 1200 : i32
      %add3A_84 = arith.addi %add3A_83, %mul3A_82 : i32
      %get3A = arith.index_cast %add3A_84 : i32 to index
      %get3A_85 = tpu.vector_load %arg5[%get3A] {strides = array<i32>} : memref<3200xi32, #tpu.memory_space<vmem>>, vector<16xi32>,
      %mul3A_86 = arith.constant 16 : i32
      %mul3A_87 = arith.muli %scan3A_80, %mul3A_86 : i32
      %add3A_88 = arith.addi %sub3A_34, %mul3A_87 : i32
      %add3A_89 = vector.broadcast %add3A_88 : i32 to vector<16xi32>
      %add3A_90 = arith.addi %add3A_89, %iota3A : vector<16xi32>
      %lt3A = arith.constant 80 : i32
      %lt3A_91 = vector.broadcast %lt3A : i32 to vector<16xi32>
      %lt3A_92 = arith.cmpi slt, %get3A_85, %lt3A_91 : vector<16xi32>
      %lt3A_93 = arith.constant 400 : i32
      %lt3A_94 = vector.broadcast %lt3A_93 : i32 to vector<16xi32>
      %lt3A_95 = arith.cmpi slt, %add3A_90, %lt3A_94 : vector<16xi32>
      %and3A = arith.andi %lt3A_92, %lt3A_95 : vector<16xi1>
      %jit3A = arith.constant 0 : i32
      %broadcast_in_dim3A = vector.broadcast %jit3A : i32 to vector<16xi32>
      %select_n3A = arith.select %and3A, %get3A_85, %broadcast_in_dim3A : vector<16xi1>, vector<16xi32>
      %min3A_96 = arith.constant 399 : i32
      %min3A_97 = vector.broadcast %min3A_96 : i32 to vector<16xi32>
      %min3A_98 = arith.minsi %add3A_90, %min3A_97 : vector<16xi32>
      %gather3A = tpu.vector_load_idx %arg6[%min3A_98, %select_n3A] : memref<400x80xf32, #tpu.memory_space<vmem>>[vector<16xi32>, vector<16xi32>], vector<16xf32>,
      %jit3A_99 = arith.constant -4.000000e+01 : f32
      %broadcast_in_dim3A_100 = vector.broadcast %jit3A_99 : f32 to vector<16xf32>
      %select_n3A_101 = arith.select %and3A, %gather3A, %broadcast_in_dim3A_100 : vector<16xi1>, vector<16xf32>
      %mul3A_102 = arith.constant 16 : i32
      %mul3A_103 = arith.muli %scan3A_80, %mul3A_102 : i32
      %add3A_104 = arith.constant 1200 : i32
      %add3A_105 = arith.addi %add3A_104, %mul3A_103 : i32
      %swap3A = arith.index_cast %add3A_105 : i32 to index
      %swap3A_106 = tpu.vector_load %arg7[%swap3A] {strides = array<i32>} : memref<3200xf32, #tpu.memory_space<vmem>>, vector<16xf32>,
      tpu.vector_store %arg7[%swap3A], %select_n3A_101 {strides = array<i32>} : memref<3200xf32, #tpu.memory_space<vmem>>, vector<16xf32>,
      %scan3A_107 = arith.constant 1 : i32
      %scan3A_108 = arith.addi %scan3A_80, %scan3A_107 : i32
      %mul3A_109 = arith.constant 16 : i32
      %mul3A_110 = arith.muli %scan3A_108, %mul3A_109 : i32
      %add3A_111 = arith.constant 1200 : i32
      %add3A_112 = arith.addi %add3A_111, %mul3A_110 : i32
      %get3A_113 = arith.index_cast %add3A_112 : i32 to index
      %get3A_114 = tpu.vector_load %arg5[%get3A_113] {strides = array<i32>} : memref<3200xi32, #tpu.memory_space<vmem>>, vector<16xi32>,
      %mul3A_115 = arith.constant 16 : i32
      %mul3A_116 = arith.muli %scan3A_108, %mul3A_115 : i32
      %add3A_117 = arith.addi %sub3A_34, %mul3A_116 : i32
      %add3A_118 = vector.broadcast %add3A_117 : i32 to vector<16xi32>
      %add3A_119 = arith.addi %add3A_118, %iota3A : vector<16xi32>
      %lt3A_120 = arith.constant 80 : i32
      %lt3A_121 = vector.broadcast %lt3A_120 : i32 to vector<16xi32>
      %lt3A_122 = arith.cmpi slt, %get3A_114, %lt3A_121 : vector<16xi32>
      %lt3A_123 = arith.constant 400 : i32
      %lt3A_124 = vector.broadcast %lt3A_123 : i32 to vector<16xi32>
      %lt3A_125 = arith.cmpi slt, %add3A_119, %lt3A_124 : vector<16xi32>
      %and3A_126 = arith.andi %lt3A_122, %lt3A_125 : vector<16xi1>
      %jit3A_127 = arith.constant 0 : i32
      %broadcast_in_dim3A_128 = vector.broadcast %jit3A_127 : i32 to vector<16xi32>
      %select_n3A_129 = arith.select %and3A_126, %get3A_114, %broadcast_in_dim3A_128 : vector<16xi1>, vector<16xi32>
      %min3A_130 = arith.constant 399 : i32
      %min3A_131 = vector.broadcast %min3A_130 : i32 to vector<16xi32>
      %min3A_132 = arith.minsi %add3A_119, %min3A_131 : vector<16xi32>
      %gather3A_133 = tpu.vector_load_idx %arg6[%min3A_132, %select_n3A_129] : memref<400x80xf32, #tpu.memory_space<vmem>>[vector<16xi32>, vector<16xi32>], vector<16xf32>,
      %jit3A_134 = arith.constant -4.000000e+01 : f32
      %broadcast_in_dim3A_135 = vector.broadcast %jit3A_134 : f32 to vector<16xf32>
      %select_n3A_136 = arith.select %and3A_126, %gather3A_133, %broadcast_in_dim3A_135 : vector<16xi1>, vector<16xf32>
      %mul3A_137 = arith.constant 16 : i32
      %mul3A_138 = arith.muli %scan3A_108, %mul3A_137 : i32
      %add3A_139 = arith.constant 1200 : i32
      %add3A_140 = arith.addi %add3A_139, %mul3A_138 : i32
      %swap3A_141 = arith.index_cast %add3A_140 : i32 to index
      %swap3A_142 = tpu.vector_load %arg7[%swap3A_141] {strides = array<i32>} : memref<3200xf32, #tpu.memory_space<vmem>>, vector<16xf32>,
      tpu.vector_store %arg7[%swap3A_141], %select_n3A_136 {strides = array<i32>} : memref<3200xf32, #tpu.memory_space<vmem>>, vector<16xf32>,
      %scan3A_143 = arith.constant 2 : i32
      %scan3A_144 = arith.addi %scan3A_80, %scan3A_143 : i32
      %mul3A_145 = arith.constant 16 : i32
      %mul3A_146 = arith.muli %scan3A_144, %mul3A_145 : i32
      %add3A_147 = arith.constant 1200 : i32
      %add3A_148 = arith.addi %add3A_147, %mul3A_146 : i32
      %get3A_149 = arith.index_cast %add3A_148 : i32 to index
      %get3A_150 = tpu.vector_load %arg5[%get3A_149] {strides = array<i32>} : memref<3200xi32, #tpu.memory_space<vmem>>, vector<16xi32>,
      %mul3A_151 = arith.constant 16 : i32
      %mul3A_152 = arith.muli %scan3A_144, %mul3A_151 : i32
      %add3A_153 = arith.addi %sub3A_34, %mul3A_152 : i32
      %add3A_154 = vector.broadcast %add3A_153 : i32 to vector<16xi32>
      %add3A_155 = arith.addi %add3A_154, %iota3A : vector<16xi32>
      %lt3A_156 = arith.constant 80 : i32
      %lt3A_157 = vector.broadcast %lt3A_156 : i32 to vector<16xi32>
      %lt3A_158 = arith.cmpi slt, %get3A_150, %lt3A_157 : vector<16xi32>
      %lt3A_159 = arith.constant 400 : i32
      %lt3A_160 = vector.broadcast %lt3A_159 : i32 to vector<16xi32>
      %lt3A_161 = arith.cmpi slt, %add3A_155, %lt3A_160 : vector<16xi32>
      %and3A_162 = arith.andi %lt3A_158, %lt3A_161 : vector<16xi1>
      %jit3A_163 = arith.constant 0 : i32
      %broadcast_in_dim3A_164 = vector.broadcast %jit3A_163 : i32 to vector<16xi32>
      %select_n3A_165 = arith.select %and3A_162, %get3A_150, %broadcast_in_dim3A_164 : vector<16xi1>, vector<16xi32>
      %min3A_166 = arith.constant 399 : i32
      %min3A_167 = vector.broadcast %min3A_166 : i32 to vector<16xi32>
      %min3A_168 = arith.minsi %add3A_155, %min3A_167 : vector<16xi32>
      %gather3A_169 = tpu.vector_load_idx %arg6[%min3A_168, %select_n3A_165] : memref<400x80xf32, #tpu.memory_space<vmem>>[vector<16xi32>, vector<16xi32>], vector<16xf32>,
      %jit3A_170 = arith.constant -4.000000e+01 : f32
      %broadcast_in_dim3A_171 = vector.broadcast %jit3A_170 : f32 to vector<16xf32>
      %select_n3A_172 = arith.select %and3A_162, %gather3A_169, %broadcast_in_dim3A_171 : vector<16xi1>, vector<16xf32>
      %mul3A_173 = arith.constant 16 : i32
      %mul3A_174 = arith.muli %scan3A_144, %mul3A_173 : i32
      %add3A_175 = arith.constant 1200 : i32
      %add3A_176 = arith.addi %add3A_175, %mul3A_174 : i32
      %swap3A_177 = arith.index_cast %add3A_176 : i32 to index
      %swap3A_178 = tpu.vector_load %arg7[%swap3A_177] {strides = array<i32>} : memref<3200xf32, #tpu.memory_space<vmem>>, vector<16xf32>,
      tpu.vector_store %arg7[%swap3A_177], %select_n3A_172 {strides = array<i32>} : memref<3200xf32, #tpu.memory_space<vmem>>, vector<16xf32>,
      %scan3A_179 = arith.constant 3 : i32
      %scan3A_180 = arith.addi %scan3A_80, %scan3A_179 : i32
      %mul3A_181 = arith.constant 16 : i32
      %mul3A_182 = arith.muli %scan3A_180, %mul3A_181 : i32
      %add3A_183 = arith.constant 1200 : i32
      %add3A_184 = arith.addi %add3A_183, %mul3A_182 : i32
      %get3A_185 = arith.index_cast %add3A_184 : i32 to index
      %get3A_186 = tpu.vector_load %arg5[%get3A_185] {strides = array<i32>} : memref<3200xi32, #tpu.memory_space<vmem>>, vector<16xi32>,
      %mul3A_187 = arith.constant 16 : i32
      %mul3A_188 = arith.muli %scan3A_180, %mul3A_187 : i32
      %add3A_189 = arith.addi %sub3A_34, %mul3A_188 : i32
      %add3A_190 = vector.broadcast %add3A_189 : i32 to vector<16xi32>
      %add3A_191 = arith.addi %add3A_190, %iota3A : vector<16xi32>
      %lt3A_192 = arith.constant 80 : i32
      %lt3A_193 = vector.broadcast %lt3A_192 : i32 to vector<16xi32>
      %lt3A_194 = arith.cmpi slt, %get3A_186, %lt3A_193 : vector<16xi32>
      %lt3A_195 = arith.constant 400 : i32
      %lt3A_196 = vector.broadcast %lt3A_195 : i32 to vector<16xi32>
      %lt3A_197 = arith.cmpi slt, %add3A_191, %lt3A_196 : vector<16xi32>
      %and3A_198 = arith.andi %lt3A_194, %lt3A_197 : vector<16xi1>
      %jit3A_199 = arith.constant 0 : i32
      %broadcast_in_dim3A_200 = vector.broadcast %jit3A_199 : i32 to vector<16xi32>
      %select_n3A_201 = arith.select %and3A_198, %get3A_186, %broadcast_in_dim3A_200 : vector<16xi1>, vector<16xi32>
      %min3A_202 = arith.constant 399 : i32
      %min3A_203 = vector.broadcast %min3A_202 : i32 to vector<16xi32>
      %min3A_204 = arith.minsi %add3A_191, %min3A_203 : vector<16xi32>
      %gather3A_205 = tpu.vector_load_idx %arg6[%min3A_204, %select_n3A_201] : memref<400x80xf32, #tpu.memory_space<vmem>>[vector<16xi32>, vector<16xi32>], vector<16xf32>,
      %jit3A_206 = arith.constant -4.000000e+01 : f32
      %broadcast_in_dim3A_207 = vector.broadcast %jit3A_206 : f32 to vector<16xf32>
      %select_n3A_208 = arith.select %and3A_198, %gather3A_205, %broadcast_in_dim3A_207 : vector<16xi1>, vector<16xf32>
      %mul3A_209 = arith.constant 16 : i32
      %mul3A_210 = arith.muli %scan3A_180, %mul3A_209 : i32
      %add3A_211 = arith.constant 1200 : i32
      %add3A_212 = arith.addi %add3A_211, %mul3A_210 : i32
      %swap3A_213 = arith.index_cast %add3A_212 : i32 to index
      %swap3A_214 = tpu.vector_load %arg7[%swap3A_213] {strides = array<i32>} : memref<3200xf32, #tpu.memory_space<vmem>>, vector<16xf32>,
      tpu.vector_store %arg7[%swap3A_213], %select_n3A_208 {strides = array<i32>} : memref<3200xf32, #tpu.memory_space<vmem>>, vector<16xf32>,
      %scan3A_215 = arith.constant 4 : i32
      %scan3A_216 = arith.addi %scan3A_80, %scan3A_215 : i32
      %mul3A_217 = arith.constant 16 : i32
      %mul3A_218 = arith.muli %scan3A_216, %mul3A_217 : i32
      %add3A_219 = arith.constant 1200 : i32
      %add3A_220 = arith.addi %add3A_219, %mul3A_218 : i32
      %get3A_221 = arith.index_cast %add3A_220 : i32 to index
      %get3A_222 = tpu.vector_load %arg5[%get3A_221] {strides = array<i32>} : memref<3200xi32, #tpu.memory_space<vmem>>, vector<16xi32>,
      %mul3A_223 = arith.constant 16 : i32
      %mul3A_224 = arith.muli %scan3A_216, %mul3A_223 : i32
      %add3A_225 = arith.addi %sub3A_34, %mul3A_224 : i32
      %add3A_226 = vector.broadcast %add3A_225 : i32 to vector<16xi32>
      %add3A_227 = arith.addi %add3A_226, %iota3A : vector<16xi32>
      %lt3A_228 = arith.constant 80 : i32
      %lt3A_229 = vector.broadcast %lt3A_228 : i32 to vector<16xi32>
      %lt3A_230 = arith.cmpi slt, %get3A_222, %lt3A_229 : vector<16xi32>
      %lt3A_231 = arith.constant 400 : i32
      %lt3A_232 = vector.broadcast %lt3A_231 : i32 to vector<16xi32>
      %lt3A_233 = arith.cmpi slt, %add3A_227, %lt3A_232 : vector<16xi32>
      %and3A_234 = arith.andi %lt3A_230, %lt3A_233 : vector<16xi1>
      %jit3A_235 = arith.constant 0 : i32
      %broadcast_in_dim3A_236 = vector.broadcast %jit3A_235 : i32 to vector<16xi32>
      %select_n3A_237 = arith.select %and3A_234, %get3A_222, %broadcast_in_dim3A_236 : vector<16xi1>, vector<16xi32>
      %min3A_238 = arith.constant 399 : i32
      %min3A_239 = vector.broadcast %min3A_238 : i32 to vector<16xi32>
      %min3A_240 = arith.minsi %add3A_227, %min3A_239 : vector<16xi32>
      %gather3A_241 = tpu.vector_load_idx %arg6[%min3A_240, %select_n3A_237] : memref<400x80xf32, #tpu.memory_space<vmem>>[vector<16xi32>, vector<16xi32>], vector<16xf32>,
      %jit3A_242 = arith.constant -4.000000e+01 : f32
      %broadcast_in_dim3A_243 = vector.broadcast %jit3A_242 : f32 to vector<16xf32>
      %select_n3A_244 = arith.select %and3A_234, %gather3A_241, %broadcast_in_dim3A_243 : vector<16xi1>, vector<16xf32>
      %mul3A_245 = arith.constant 16 : i32
      %mul3A_246 = arith.muli %scan3A_216, %mul3A_245 : i32
      %add3A_247 = arith.constant 1200 : i32
      %add3A_248 = arith.addi %add3A_247, %mul3A_246 : i32
      %swap3A_249 = arith.index_cast %add3A_248 : i32 to index
      %swap3A_250 = tpu.vector_load %arg7[%swap3A_249] {strides = array<i32>} : memref<3200xf32, #tpu.memory_space<vmem>>, vector<16xf32>,
      tpu.vector_store %arg7[%swap3A_249], %select_n3A_244 {strides = array<i32>} : memref<3200xf32, #tpu.memory_space<vmem>>, vector<16xf32>,
    }
    %scan3A_39 = arith.constant 25 : i32
    %add3A_40 = arith.constant 1600 : i32
    %add3A_41 = arith.addi %mul3A_2, %add3A_40 : i32
    %min3A_42 = arith.constant 99600 : i32
    %min3A_43 = arith.minsi %add3A_41, %min3A_42 : i32
    "tpu.region"() ({
      %run_scoped3A = tpu.sem_alloc : memref<!tpu.dma_semaphore, #tpu.memory_space<semaphore_mem>>
      %dma_start3A = arith.constant 0 : i32
      %dma_start3A_80 = tpu.memref_slice %arg2[%min3A_43, %dma_start3A] : memref<100000x80xf32, #tpu.memory_space<hbm>> -> memref<400x80xf32, #tpu.memory_space<hbm>>
      %dma_start3A_81 = arith.constant 0 : i32
      %dma_start3A_82 = tpu.memref_slice %arg2[%min3A_43, %dma_start3A_81] : memref<100000x80xf32, #tpu.memory_space<hbm>> -> memref<400x80xf32, #tpu.memory_space<hbm>>
      tpu.enqueue_dma source(%dma_start3A_82 : memref<400x80xf32, #tpu.memory_space<hbm>>) target(%arg6 : memref<400x80xf32, #tpu.memory_space<vmem>>) target_semaphore(%run_scoped3A : memref<!tpu.dma_semaphore, #tpu.memory_space<semaphore_mem>>)
      %dma_wait3A = arith.constant 0 : i32
      %dma_wait3A_83 = tpu.memref_slice %arg2[%min3A_43, %dma_wait3A] : memref<100000x80xf32, #tpu.memory_space<hbm>> -> memref<400x80xf32, #tpu.memory_space<hbm>>
      %dma_wait3A_84 = arith.constant 0 : i32
      %dma_wait3A_85 = tpu.memref_slice %arg2[%min3A_43, %dma_wait3A_84] : memref<100000x80xf32, #tpu.memory_space<hbm>> -> memref<400x80xf32, #tpu.memory_space<hbm>>
      tpu.wait_dma2 semaphore(%run_scoped3A : memref<!tpu.dma_semaphore, #tpu.memory_space<semaphore_mem>>) src(%dma_wait3A_85 : memref<400x80xf32, #tpu.memory_space<hbm>>) dst(%arg6 : memref<400x80xf32, #tpu.memory_space<vmem>>)
      tpu.yield
    }) : () -> ()
    %sub3A_44 = arith.subi %add3A_41, %min3A_43 : i32
    %scan3A_45 = arith.constant 0 : i32
    %scan3A_46 = arith.constant 25 : i32
    %scan3A_47 = arith.addi %scan3A_45, %scan3A_46 : i32
    %scan3A_48 = arith.constant 5 : i32
    scf.for %scan3A_80 = %scan3A_45 to %scan3A_47 step %scan3A_48  : i32 {
      %mul3A_81 = arith.constant 16 : i32
      %mul3A_82 = arith.muli %scan3A_80, %mul3A_81 : i32
      %add3A_83 = arith.constant 1600 : i32
      %add3A_84 = arith.addi %add3A_83, %mul3A_82 : i32
      %get3A = arith.index_cast %add3A_84 : i32 to index
      %get3A_85 = tpu.vector_load %arg5[%get3A] {strides = array<i32>} : memref<3200xi32, #tpu.memory_space<vmem>>, vector<16xi32>,
      %mul3A_86 = arith.constant 16 : i32
      %mul3A_87 = arith.muli %scan3A_80, %mul3A_86 : i32
      %add3A_88 = arith.addi %sub3A_44, %mul3A_87 : i32
      %add3A_89 = vector.broadcast %add3A_88 : i32 to vector<16xi32>
      %add3A_90 = arith.addi %add3A_89, %iota3A : vector<16xi32>
      %lt3A = arith.constant 80 : i32
      %lt3A_91 = vector.broadcast %lt3A : i32 to vector<16xi32>
      %lt3A_92 = arith.cmpi slt, %get3A_85, %lt3A_91 : vector<16xi32>
      %lt3A_93 = arith.constant 400 : i32
      %lt3A_94 = vector.broadcast %lt3A_93 : i32 to vector<16xi32>
      %lt3A_95 = arith.cmpi slt, %add3A_90, %lt3A_94 : vector<16xi32>
      %and3A = arith.andi %lt3A_92, %lt3A_95 : vector<16xi1>
      %jit3A = arith.constant 0 : i32
      %broadcast_in_dim3A = vector.broadcast %jit3A : i32 to vector<16xi32>
      %select_n3A = arith.select %and3A, %get3A_85, %broadcast_in_dim3A : vector<16xi1>, vector<16xi32>
      %min3A_96 = arith.constant 399 : i32
      %min3A_97 = vector.broadcast %min3A_96 : i32 to vector<16xi32>
      %min3A_98 = arith.minsi %add3A_90, %min3A_97 : vector<16xi32>
      %gather3A = tpu.vector_load_idx %arg6[%min3A_98, %select_n3A] : memref<400x80xf32, #tpu.memory_space<vmem>>[vector<16xi32>, vector<16xi32>], vector<16xf32>,
      %jit3A_99 = arith.constant -4.000000e+01 : f32
      %broadcast_in_dim3A_100 = vector.broadcast %jit3A_99 : f32 to vector<16xf32>
      %select_n3A_101 = arith.select %and3A, %gather3A, %broadcast_in_dim3A_100 : vector<16xi1>, vector<16xf32>
      %mul3A_102 = arith.constant 16 : i32
      %mul3A_103 = arith.muli %scan3A_80, %mul3A_102 : i32
      %add3A_104 = arith.constant 1600 : i32
      %add3A_105 = arith.addi %add3A_104, %mul3A_103 : i32
      %swap3A = arith.index_cast %add3A_105 : i32 to index
      %swap3A_106 = tpu.vector_load %arg7[%swap3A] {strides = array<i32>} : memref<3200xf32, #tpu.memory_space<vmem>>, vector<16xf32>,
      tpu.vector_store %arg7[%swap3A], %select_n3A_101 {strides = array<i32>} : memref<3200xf32, #tpu.memory_space<vmem>>, vector<16xf32>,
      %scan3A_107 = arith.constant 1 : i32
      %scan3A_108 = arith.addi %scan3A_80, %scan3A_107 : i32
      %mul3A_109 = arith.constant 16 : i32
      %mul3A_110 = arith.muli %scan3A_108, %mul3A_109 : i32
      %add3A_111 = arith.constant 1600 : i32
      %add3A_112 = arith.addi %add3A_111, %mul3A_110 : i32
      %get3A_113 = arith.index_cast %add3A_112 : i32 to index
      %get3A_114 = tpu.vector_load %arg5[%get3A_113] {strides = array<i32>} : memref<3200xi32, #tpu.memory_space<vmem>>, vector<16xi32>,
      %mul3A_115 = arith.constant 16 : i32
      %mul3A_116 = arith.muli %scan3A_108, %mul3A_115 : i32
      %add3A_117 = arith.addi %sub3A_44, %mul3A_116 : i32
      %add3A_118 = vector.broadcast %add3A_117 : i32 to vector<16xi32>
      %add3A_119 = arith.addi %add3A_118, %iota3A : vector<16xi32>
      %lt3A_120 = arith.constant 80 : i32
      %lt3A_121 = vector.broadcast %lt3A_120 : i32 to vector<16xi32>
      %lt3A_122 = arith.cmpi slt, %get3A_114, %lt3A_121 : vector<16xi32>
      %lt3A_123 = arith.constant 400 : i32
      %lt3A_124 = vector.broadcast %lt3A_123 : i32 to vector<16xi32>
      %lt3A_125 = arith.cmpi slt, %add3A_119, %lt3A_124 : vector<16xi32>
      %and3A_126 = arith.andi %lt3A_122, %lt3A_125 : vector<16xi1>
      %jit3A_127 = arith.constant 0 : i32
      %broadcast_in_dim3A_128 = vector.broadcast %jit3A_127 : i32 to vector<16xi32>
      %select_n3A_129 = arith.select %and3A_126, %get3A_114, %broadcast_in_dim3A_128 : vector<16xi1>, vector<16xi32>
      %min3A_130 = arith.constant 399 : i32
      %min3A_131 = vector.broadcast %min3A_130 : i32 to vector<16xi32>
      %min3A_132 = arith.minsi %add3A_119, %min3A_131 : vector<16xi32>
      %gather3A_133 = tpu.vector_load_idx %arg6[%min3A_132, %select_n3A_129] : memref<400x80xf32, #tpu.memory_space<vmem>>[vector<16xi32>, vector<16xi32>], vector<16xf32>,
      %jit3A_134 = arith.constant -4.000000e+01 : f32
      %broadcast_in_dim3A_135 = vector.broadcast %jit3A_134 : f32 to vector<16xf32>
      %select_n3A_136 = arith.select %and3A_126, %gather3A_133, %broadcast_in_dim3A_135 : vector<16xi1>, vector<16xf32>
      %mul3A_137 = arith.constant 16 : i32
      %mul3A_138 = arith.muli %scan3A_108, %mul3A_137 : i32
      %add3A_139 = arith.constant 1600 : i32
      %add3A_140 = arith.addi %add3A_139, %mul3A_138 : i32
      %swap3A_141 = arith.index_cast %add3A_140 : i32 to index
      %swap3A_142 = tpu.vector_load %arg7[%swap3A_141] {strides = array<i32>} : memref<3200xf32, #tpu.memory_space<vmem>>, vector<16xf32>,
      tpu.vector_store %arg7[%swap3A_141], %select_n3A_136 {strides = array<i32>} : memref<3200xf32, #tpu.memory_space<vmem>>, vector<16xf32>,
      %scan3A_143 = arith.constant 2 : i32
      %scan3A_144 = arith.addi %scan3A_80, %scan3A_143 : i32
      %mul3A_145 = arith.constant 16 : i32
      %mul3A_146 = arith.muli %scan3A_144, %mul3A_145 : i32
      %add3A_147 = arith.constant 1600 : i32
      %add3A_148 = arith.addi %add3A_147, %mul3A_146 : i32
      %get3A_149 = arith.index_cast %add3A_148 : i32 to index
      %get3A_150 = tpu.vector_load %arg5[%get3A_149] {strides = array<i32>} : memref<3200xi32, #tpu.memory_space<vmem>>, vector<16xi32>,
      %mul3A_151 = arith.constant 16 : i32
      %mul3A_152 = arith.muli %scan3A_144, %mul3A_151 : i32
      %add3A_153 = arith.addi %sub3A_44, %mul3A_152 : i32
      %add3A_154 = vector.broadcast %add3A_153 : i32 to vector<16xi32>
      %add3A_155 = arith.addi %add3A_154, %iota3A : vector<16xi32>
      %lt3A_156 = arith.constant 80 : i32
      %lt3A_157 = vector.broadcast %lt3A_156 : i32 to vector<16xi32>
      %lt3A_158 = arith.cmpi slt, %get3A_150, %lt3A_157 : vector<16xi32>
      %lt3A_159 = arith.constant 400 : i32
      %lt3A_160 = vector.broadcast %lt3A_159 : i32 to vector<16xi32>
      %lt3A_161 = arith.cmpi slt, %add3A_155, %lt3A_160 : vector<16xi32>
      %and3A_162 = arith.andi %lt3A_158, %lt3A_161 : vector<16xi1>
      %jit3A_163 = arith.constant 0 : i32
      %broadcast_in_dim3A_164 = vector.broadcast %jit3A_163 : i32 to vector<16xi32>
      %select_n3A_165 = arith.select %and3A_162, %get3A_150, %broadcast_in_dim3A_164 : vector<16xi1>, vector<16xi32>
      %min3A_166 = arith.constant 399 : i32
      %min3A_167 = vector.broadcast %min3A_166 : i32 to vector<16xi32>
      %min3A_168 = arith.minsi %add3A_155, %min3A_167 : vector<16xi32>
      %gather3A_169 = tpu.vector_load_idx %arg6[%min3A_168, %select_n3A_165] : memref<400x80xf32, #tpu.memory_space<vmem>>[vector<16xi32>, vector<16xi32>], vector<16xf32>,
      %jit3A_170 = arith.constant -4.000000e+01 : f32
      %broadcast_in_dim3A_171 = vector.broadcast %jit3A_170 : f32 to vector<16xf32>
      %select_n3A_172 = arith.select %and3A_162, %gather3A_169, %broadcast_in_dim3A_171 : vector<16xi1>, vector<16xf32>
      %mul3A_173 = arith.constant 16 : i32
      %mul3A_174 = arith.muli %scan3A_144, %mul3A_173 : i32
      %add3A_175 = arith.constant 1600 : i32
      %add3A_176 = arith.addi %add3A_175, %mul3A_174 : i32
      %swap3A_177 = arith.index_cast %add3A_176 : i32 to index
      %swap3A_178 = tpu.vector_load %arg7[%swap3A_177] {strides = array<i32>} : memref<3200xf32, #tpu.memory_space<vmem>>, vector<16xf32>,
      tpu.vector_store %arg7[%swap3A_177], %select_n3A_172 {strides = array<i32>} : memref<3200xf32, #tpu.memory_space<vmem>>, vector<16xf32>,
      %scan3A_179 = arith.constant 3 : i32
      %scan3A_180 = arith.addi %scan3A_80, %scan3A_179 : i32
      %mul3A_181 = arith.constant 16 : i32
      %mul3A_182 = arith.muli %scan3A_180, %mul3A_181 : i32
      %add3A_183 = arith.constant 1600 : i32
      %add3A_184 = arith.addi %add3A_183, %mul3A_182 : i32
      %get3A_185 = arith.index_cast %add3A_184 : i32 to index
      %get3A_186 = tpu.vector_load %arg5[%get3A_185] {strides = array<i32>} : memref<3200xi32, #tpu.memory_space<vmem>>, vector<16xi32>,
      %mul3A_187 = arith.constant 16 : i32
      %mul3A_188 = arith.muli %scan3A_180, %mul3A_187 : i32
      %add3A_189 = arith.addi %sub3A_44, %mul3A_188 : i32
      %add3A_190 = vector.broadcast %add3A_189 : i32 to vector<16xi32>
      %add3A_191 = arith.addi %add3A_190, %iota3A : vector<16xi32>
      %lt3A_192 = arith.constant 80 : i32
      %lt3A_193 = vector.broadcast %lt3A_192 : i32 to vector<16xi32>
      %lt3A_194 = arith.cmpi slt, %get3A_186, %lt3A_193 : vector<16xi32>
      %lt3A_195 = arith.constant 400 : i32
      %lt3A_196 = vector.broadcast %lt3A_195 : i32 to vector<16xi32>
      %lt3A_197 = arith.cmpi slt, %add3A_191, %lt3A_196 : vector<16xi32>
      %and3A_198 = arith.andi %lt3A_194, %lt3A_197 : vector<16xi1>
      %jit3A_199 = arith.constant 0 : i32
      %broadcast_in_dim3A_200 = vector.broadcast %jit3A_199 : i32 to vector<16xi32>
      %select_n3A_201 = arith.select %and3A_198, %get3A_186, %broadcast_in_dim3A_200 : vector<16xi1>, vector<16xi32>
      %min3A_202 = arith.constant 399 : i32
      %min3A_203 = vector.broadcast %min3A_202 : i32 to vector<16xi32>
      %min3A_204 = arith.minsi %add3A_191, %min3A_203 : vector<16xi32>
      %gather3A_205 = tpu.vector_load_idx %arg6[%min3A_204, %select_n3A_201] : memref<400x80xf32, #tpu.memory_space<vmem>>[vector<16xi32>, vector<16xi32>], vector<16xf32>,
      %jit3A_206 = arith.constant -4.000000e+01 : f32
      %broadcast_in_dim3A_207 = vector.broadcast %jit3A_206 : f32 to vector<16xf32>
      %select_n3A_208 = arith.select %and3A_198, %gather3A_205, %broadcast_in_dim3A_207 : vector<16xi1>, vector<16xf32>
      %mul3A_209 = arith.constant 16 : i32
      %mul3A_210 = arith.muli %scan3A_180, %mul3A_209 : i32
      %add3A_211 = arith.constant 1600 : i32
      %add3A_212 = arith.addi %add3A_211, %mul3A_210 : i32
      %swap3A_213 = arith.index_cast %add3A_212 : i32 to index
      %swap3A_214 = tpu.vector_load %arg7[%swap3A_213] {strides = array<i32>} : memref<3200xf32, #tpu.memory_space<vmem>>, vector<16xf32>,
      tpu.vector_store %arg7[%swap3A_213], %select_n3A_208 {strides = array<i32>} : memref<3200xf32, #tpu.memory_space<vmem>>, vector<16xf32>,
      %scan3A_215 = arith.constant 4 : i32
      %scan3A_216 = arith.addi %scan3A_80, %scan3A_215 : i32
      %mul3A_217 = arith.constant 16 : i32
      %mul3A_218 = arith.muli %scan3A_216, %mul3A_217 : i32
      %add3A_219 = arith.constant 1600 : i32
      %add3A_220 = arith.addi %add3A_219, %mul3A_218 : i32
      %get3A_221 = arith.index_cast %add3A_220 : i32 to index
      %get3A_222 = tpu.vector_load %arg5[%get3A_221] {strides = array<i32>} : memref<3200xi32, #tpu.memory_space<vmem>>, vector<16xi32>,
      %mul3A_223 = arith.constant 16 : i32
      %mul3A_224 = arith.muli %scan3A_216, %mul3A_223 : i32
      %add3A_225 = arith.addi %sub3A_44, %mul3A_224 : i32
      %add3A_226 = vector.broadcast %add3A_225 : i32 to vector<16xi32>
      %add3A_227 = arith.addi %add3A_226, %iota3A : vector<16xi32>
      %lt3A_228 = arith.constant 80 : i32
      %lt3A_229 = vector.broadcast %lt3A_228 : i32 to vector<16xi32>
      %lt3A_230 = arith.cmpi slt, %get3A_222, %lt3A_229 : vector<16xi32>
      %lt3A_231 = arith.constant 400 : i32
      %lt3A_232 = vector.broadcast %lt3A_231 : i32 to vector<16xi32>
      %lt3A_233 = arith.cmpi slt, %add3A_227, %lt3A_232 : vector<16xi32>
      %and3A_234 = arith.andi %lt3A_230, %lt3A_233 : vector<16xi1>
      %jit3A_235 = arith.constant 0 : i32
      %broadcast_in_dim3A_236 = vector.broadcast %jit3A_235 : i32 to vector<16xi32>
      %select_n3A_237 = arith.select %and3A_234, %get3A_222, %broadcast_in_dim3A_236 : vector<16xi1>, vector<16xi32>
      %min3A_238 = arith.constant 399 : i32
      %min3A_239 = vector.broadcast %min3A_238 : i32 to vector<16xi32>
      %min3A_240 = arith.minsi %add3A_227, %min3A_239 : vector<16xi32>
      %gather3A_241 = tpu.vector_load_idx %arg6[%min3A_240, %select_n3A_237] : memref<400x80xf32, #tpu.memory_space<vmem>>[vector<16xi32>, vector<16xi32>], vector<16xf32>,
      %jit3A_242 = arith.constant -4.000000e+01 : f32
      %broadcast_in_dim3A_243 = vector.broadcast %jit3A_242 : f32 to vector<16xf32>
      %select_n3A_244 = arith.select %and3A_234, %gather3A_241, %broadcast_in_dim3A_243 : vector<16xi1>, vector<16xf32>
      %mul3A_245 = arith.constant 16 : i32
      %mul3A_246 = arith.muli %scan3A_216, %mul3A_245 : i32
      %add3A_247 = arith.constant 1600 : i32
      %add3A_248 = arith.addi %add3A_247, %mul3A_246 : i32
      %swap3A_249 = arith.index_cast %add3A_248 : i32 to index
      %swap3A_250 = tpu.vector_load %arg7[%swap3A_249] {strides = array<i32>} : memref<3200xf32, #tpu.memory_space<vmem>>, vector<16xf32>,
      tpu.vector_store %arg7[%swap3A_249], %select_n3A_244 {strides = array<i32>} : memref<3200xf32, #tpu.memory_space<vmem>>, vector<16xf32>,
    }
    %scan3A_49 = arith.constant 25 : i32
    %add3A_50 = arith.constant 2000 : i32
    %add3A_51 = arith.addi %mul3A_2, %add3A_50 : i32
    %min3A_52 = arith.constant 99600 : i32
    %min3A_53 = arith.minsi %add3A_51, %min3A_52 : i32
    "tpu.region"() ({
      %run_scoped3A = tpu.sem_alloc : memref<!tpu.dma_semaphore, #tpu.memory_space<semaphore_mem>>
      %dma_start3A = arith.constant 0 : i32
      %dma_start3A_80 = tpu.memref_slice %arg2[%min3A_53, %dma_start3A] : memref<100000x80xf32, #tpu.memory_space<hbm>> -> memref<400x80xf32, #tpu.memory_space<hbm>>
      %dma_start3A_81 = arith.constant 0 : i32
      %dma_start3A_82 = tpu.memref_slice %arg2[%min3A_53, %dma_start3A_81] : memref<100000x80xf32, #tpu.memory_space<hbm>> -> memref<400x80xf32, #tpu.memory_space<hbm>>
      tpu.enqueue_dma source(%dma_start3A_82 : memref<400x80xf32, #tpu.memory_space<hbm>>) target(%arg6 : memref<400x80xf32, #tpu.memory_space<vmem>>) target_semaphore(%run_scoped3A : memref<!tpu.dma_semaphore, #tpu.memory_space<semaphore_mem>>)
      %dma_wait3A = arith.constant 0 : i32
      %dma_wait3A_83 = tpu.memref_slice %arg2[%min3A_53, %dma_wait3A] : memref<100000x80xf32, #tpu.memory_space<hbm>> -> memref<400x80xf32, #tpu.memory_space<hbm>>
      %dma_wait3A_84 = arith.constant 0 : i32
      %dma_wait3A_85 = tpu.memref_slice %arg2[%min3A_53, %dma_wait3A_84] : memref<100000x80xf32, #tpu.memory_space<hbm>> -> memref<400x80xf32, #tpu.memory_space<hbm>>
      tpu.wait_dma2 semaphore(%run_scoped3A : memref<!tpu.dma_semaphore, #tpu.memory_space<semaphore_mem>>) src(%dma_wait3A_85 : memref<400x80xf32, #tpu.memory_space<hbm>>) dst(%arg6 : memref<400x80xf32, #tpu.memory_space<vmem>>)
      tpu.yield
    }) : () -> ()
    %sub3A_54 = arith.subi %add3A_51, %min3A_53 : i32
    %scan3A_55 = arith.constant 0 : i32
    %scan3A_56 = arith.constant 25 : i32
    %scan3A_57 = arith.addi %scan3A_55, %scan3A_56 : i32
    %scan3A_58 = arith.constant 5 : i32
    scf.for %scan3A_80 = %scan3A_55 to %scan3A_57 step %scan3A_58  : i32 {
      %mul3A_81 = arith.constant 16 : i32
      %mul3A_82 = arith.muli %scan3A_80, %mul3A_81 : i32
      %add3A_83 = arith.constant 2000 : i32
      %add3A_84 = arith.addi %add3A_83, %mul3A_82 : i32
      %get3A = arith.index_cast %add3A_84 : i32 to index
      %get3A_85 = tpu.vector_load %arg5[%get3A] {strides = array<i32>} : memref<3200xi32, #tpu.memory_space<vmem>>, vector<16xi32>,
      %mul3A_86 = arith.constant 16 : i32
      %mul3A_87 = arith.muli %scan3A_80, %mul3A_86 : i32
      %add3A_88 = arith.addi %sub3A_54, %mul3A_87 : i32
      %add3A_89 = vector.broadcast %add3A_88 : i32 to vector<16xi32>
      %add3A_90 = arith.addi %add3A_89, %iota3A : vector<16xi32>
      %lt3A = arith.constant 80 : i32
      %lt3A_91 = vector.broadcast %lt3A : i32 to vector<16xi32>
      %lt3A_92 = arith.cmpi slt, %get3A_85, %lt3A_91 : vector<16xi32>
      %lt3A_93 = arith.constant 400 : i32
      %lt3A_94 = vector.broadcast %lt3A_93 : i32 to vector<16xi32>
      %lt3A_95 = arith.cmpi slt, %add3A_90, %lt3A_94 : vector<16xi32>
      %and3A = arith.andi %lt3A_92, %lt3A_95 : vector<16xi1>
      %jit3A = arith.constant 0 : i32
      %broadcast_in_dim3A = vector.broadcast %jit3A : i32 to vector<16xi32>
      %select_n3A = arith.select %and3A, %get3A_85, %broadcast_in_dim3A : vector<16xi1>, vector<16xi32>
      %min3A_96 = arith.constant 399 : i32
      %min3A_97 = vector.broadcast %min3A_96 : i32 to vector<16xi32>
      %min3A_98 = arith.minsi %add3A_90, %min3A_97 : vector<16xi32>
      %gather3A = tpu.vector_load_idx %arg6[%min3A_98, %select_n3A] : memref<400x80xf32, #tpu.memory_space<vmem>>[vector<16xi32>, vector<16xi32>], vector<16xf32>,
      %jit3A_99 = arith.constant -4.000000e+01 : f32
      %broadcast_in_dim3A_100 = vector.broadcast %jit3A_99 : f32 to vector<16xf32>
      %select_n3A_101 = arith.select %and3A, %gather3A, %broadcast_in_dim3A_100 : vector<16xi1>, vector<16xf32>
      %mul3A_102 = arith.constant 16 : i32
      %mul3A_103 = arith.muli %scan3A_80, %mul3A_102 : i32
      %add3A_104 = arith.constant 2000 : i32
      %add3A_105 = arith.addi %add3A_104, %mul3A_103 : i32
      %swap3A = arith.index_cast %add3A_105 : i32 to index
      %swap3A_106 = tpu.vector_load %arg7[%swap3A] {strides = array<i32>} : memref<3200xf32, #tpu.memory_space<vmem>>, vector<16xf32>,
      tpu.vector_store %arg7[%swap3A], %select_n3A_101 {strides = array<i32>} : memref<3200xf32, #tpu.memory_space<vmem>>, vector<16xf32>,
      %scan3A_107 = arith.constant 1 : i32
      %scan3A_108 = arith.addi %scan3A_80, %scan3A_107 : i32
      %mul3A_109 = arith.constant 16 : i32
      %mul3A_110 = arith.muli %scan3A_108, %mul3A_109 : i32
      %add3A_111 = arith.constant 2000 : i32
      %add3A_112 = arith.addi %add3A_111, %mul3A_110 : i32
      %get3A_113 = arith.index_cast %add3A_112 : i32 to index
      %get3A_114 = tpu.vector_load %arg5[%get3A_113] {strides = array<i32>} : memref<3200xi32, #tpu.memory_space<vmem>>, vector<16xi32>,
      %mul3A_115 = arith.constant 16 : i32
      %mul3A_116 = arith.muli %scan3A_108, %mul3A_115 : i32
      %add3A_117 = arith.addi %sub3A_54, %mul3A_116 : i32
      %add3A_118 = vector.broadcast %add3A_117 : i32 to vector<16xi32>
      %add3A_119 = arith.addi %add3A_118, %iota3A : vector<16xi32>
      %lt3A_120 = arith.constant 80 : i32
      %lt3A_121 = vector.broadcast %lt3A_120 : i32 to vector<16xi32>
      %lt3A_122 = arith.cmpi slt, %get3A_114, %lt3A_121 : vector<16xi32>
      %lt3A_123 = arith.constant 400 : i32
      %lt3A_124 = vector.broadcast %lt3A_123 : i32 to vector<16xi32>
      %lt3A_125 = arith.cmpi slt, %add3A_119, %lt3A_124 : vector<16xi32>
      %and3A_126 = arith.andi %lt3A_122, %lt3A_125 : vector<16xi1>
      %jit3A_127 = arith.constant 0 : i32
      %broadcast_in_dim3A_128 = vector.broadcast %jit3A_127 : i32 to vector<16xi32>
      %select_n3A_129 = arith.select %and3A_126, %get3A_114, %broadcast_in_dim3A_128 : vector<16xi1>, vector<16xi32>
      %min3A_130 = arith.constant 399 : i32
      %min3A_131 = vector.broadcast %min3A_130 : i32 to vector<16xi32>
      %min3A_132 = arith.minsi %add3A_119, %min3A_131 : vector<16xi32>
      %gather3A_133 = tpu.vector_load_idx %arg6[%min3A_132, %select_n3A_129] : memref<400x80xf32, #tpu.memory_space<vmem>>[vector<16xi32>, vector<16xi32>], vector<16xf32>,
      %jit3A_134 = arith.constant -4.000000e+01 : f32
      %broadcast_in_dim3A_135 = vector.broadcast %jit3A_134 : f32 to vector<16xf32>
      %select_n3A_136 = arith.select %and3A_126, %gather3A_133, %broadcast_in_dim3A_135 : vector<16xi1>, vector<16xf32>
      %mul3A_137 = arith.constant 16 : i32
      %mul3A_138 = arith.muli %scan3A_108, %mul3A_137 : i32
      %add3A_139 = arith.constant 2000 : i32
      %add3A_140 = arith.addi %add3A_139, %mul3A_138 : i32
      %swap3A_141 = arith.index_cast %add3A_140 : i32 to index
      %swap3A_142 = tpu.vector_load %arg7[%swap3A_141] {strides = array<i32>} : memref<3200xf32, #tpu.memory_space<vmem>>, vector<16xf32>,
      tpu.vector_store %arg7[%swap3A_141], %select_n3A_136 {strides = array<i32>} : memref<3200xf32, #tpu.memory_space<vmem>>, vector<16xf32>,
      %scan3A_143 = arith.constant 2 : i32
      %scan3A_144 = arith.addi %scan3A_80, %scan3A_143 : i32
      %mul3A_145 = arith.constant 16 : i32
      %mul3A_146 = arith.muli %scan3A_144, %mul3A_145 : i32
      %add3A_147 = arith.constant 2000 : i32
      %add3A_148 = arith.addi %add3A_147, %mul3A_146 : i32
      %get3A_149 = arith.index_cast %add3A_148 : i32 to index
      %get3A_150 = tpu.vector_load %arg5[%get3A_149] {strides = array<i32>} : memref<3200xi32, #tpu.memory_space<vmem>>, vector<16xi32>,
      %mul3A_151 = arith.constant 16 : i32
      %mul3A_152 = arith.muli %scan3A_144, %mul3A_151 : i32
      %add3A_153 = arith.addi %sub3A_54, %mul3A_152 : i32
      %add3A_154 = vector.broadcast %add3A_153 : i32 to vector<16xi32>
      %add3A_155 = arith.addi %add3A_154, %iota3A : vector<16xi32>
      %lt3A_156 = arith.constant 80 : i32
      %lt3A_157 = vector.broadcast %lt3A_156 : i32 to vector<16xi32>
      %lt3A_158 = arith.cmpi slt, %get3A_150, %lt3A_157 : vector<16xi32>
      %lt3A_159 = arith.constant 400 : i32
      %lt3A_160 = vector.broadcast %lt3A_159 : i32 to vector<16xi32>
      %lt3A_161 = arith.cmpi slt, %add3A_155, %lt3A_160 : vector<16xi32>
      %and3A_162 = arith.andi %lt3A_158, %lt3A_161 : vector<16xi1>
      %jit3A_163 = arith.constant 0 : i32
      %broadcast_in_dim3A_164 = vector.broadcast %jit3A_163 : i32 to vector<16xi32>
      %select_n3A_165 = arith.select %and3A_162, %get3A_150, %broadcast_in_dim3A_164 : vector<16xi1>, vector<16xi32>
      %min3A_166 = arith.constant 399 : i32
      %min3A_167 = vector.broadcast %min3A_166 : i32 to vector<16xi32>
      %min3A_168 = arith.minsi %add3A_155, %min3A_167 : vector<16xi32>
      %gather3A_169 = tpu.vector_load_idx %arg6[%min3A_168, %select_n3A_165] : memref<400x80xf32, #tpu.memory_space<vmem>>[vector<16xi32>, vector<16xi32>], vector<16xf32>,
      %jit3A_170 = arith.constant -4.000000e+01 : f32
      %broadcast_in_dim3A_171 = vector.broadcast %jit3A_170 : f32 to vector<16xf32>
      %select_n3A_172 = arith.select %and3A_162, %gather3A_169, %broadcast_in_dim3A_171 : vector<16xi1>, vector<16xf32>
      %mul3A_173 = arith.constant 16 : i32
      %mul3A_174 = arith.muli %scan3A_144, %mul3A_173 : i32
      %add3A_175 = arith.constant 2000 : i32
      %add3A_176 = arith.addi %add3A_175, %mul3A_174 : i32
      %swap3A_177 = arith.index_cast %add3A_176 : i32 to index
      %swap3A_178 = tpu.vector_load %arg7[%swap3A_177] {strides = array<i32>} : memref<3200xf32, #tpu.memory_space<vmem>>, vector<16xf32>,
      tpu.vector_store %arg7[%swap3A_177], %select_n3A_172 {strides = array<i32>} : memref<3200xf32, #tpu.memory_space<vmem>>, vector<16xf32>,
      %scan3A_179 = arith.constant 3 : i32
      %scan3A_180 = arith.addi %scan3A_80, %scan3A_179 : i32
      %mul3A_181 = arith.constant 16 : i32
      %mul3A_182 = arith.muli %scan3A_180, %mul3A_181 : i32
      %add3A_183 = arith.constant 2000 : i32
      %add3A_184 = arith.addi %add3A_183, %mul3A_182 : i32
      %get3A_185 = arith.index_cast %add3A_184 : i32 to index
      %get3A_186 = tpu.vector_load %arg5[%get3A_185] {strides = array<i32>} : memref<3200xi32, #tpu.memory_space<vmem>>, vector<16xi32>,
      %mul3A_187 = arith.constant 16 : i32
      %mul3A_188 = arith.muli %scan3A_180, %mul3A_187 : i32
      %add3A_189 = arith.addi %sub3A_54, %mul3A_188 : i32
      %add3A_190 = vector.broadcast %add3A_189 : i32 to vector<16xi32>
      %add3A_191 = arith.addi %add3A_190, %iota3A : vector<16xi32>
      %lt3A_192 = arith.constant 80 : i32
      %lt3A_193 = vector.broadcast %lt3A_192 : i32 to vector<16xi32>
      %lt3A_194 = arith.cmpi slt, %get3A_186, %lt3A_193 : vector<16xi32>
      %lt3A_195 = arith.constant 400 : i32
      %lt3A_196 = vector.broadcast %lt3A_195 : i32 to vector<16xi32>
      %lt3A_197 = arith.cmpi slt, %add3A_191, %lt3A_196 : vector<16xi32>
      %and3A_198 = arith.andi %lt3A_194, %lt3A_197 : vector<16xi1>
      %jit3A_199 = arith.constant 0 : i32
      %broadcast_in_dim3A_200 = vector.broadcast %jit3A_199 : i32 to vector<16xi32>
      %select_n3A_201 = arith.select %and3A_198, %get3A_186, %broadcast_in_dim3A_200 : vector<16xi1>, vector<16xi32>
      %min3A_202 = arith.constant 399 : i32
      %min3A_203 = vector.broadcast %min3A_202 : i32 to vector<16xi32>
      %min3A_204 = arith.minsi %add3A_191, %min3A_203 : vector<16xi32>
      %gather3A_205 = tpu.vector_load_idx %arg6[%min3A_204, %select_n3A_201] : memref<400x80xf32, #tpu.memory_space<vmem>>[vector<16xi32>, vector<16xi32>], vector<16xf32>,
      %jit3A_206 = arith.constant -4.000000e+01 : f32
      %broadcast_in_dim3A_207 = vector.broadcast %jit3A_206 : f32 to vector<16xf32>
      %select_n3A_208 = arith.select %and3A_198, %gather3A_205, %broadcast_in_dim3A_207 : vector<16xi1>, vector<16xf32>
      %mul3A_209 = arith.constant 16 : i32
      %mul3A_210 = arith.muli %scan3A_180, %mul3A_209 : i32
      %add3A_211 = arith.constant 2000 : i32
      %add3A_212 = arith.addi %add3A_211, %mul3A_210 : i32
      %swap3A_213 = arith.index_cast %add3A_212 : i32 to index
      %swap3A_214 = tpu.vector_load %arg7[%swap3A_213] {strides = array<i32>} : memref<3200xf32, #tpu.memory_space<vmem>>, vector<16xf32>,
      tpu.vector_store %arg7[%swap3A_213], %select_n3A_208 {strides = array<i32>} : memref<3200xf32, #tpu.memory_space<vmem>>, vector<16xf32>,
      %scan3A_215 = arith.constant 4 : i32
      %scan3A_216 = arith.addi %scan3A_80, %scan3A_215 : i32
      %mul3A_217 = arith.constant 16 : i32
      %mul3A_218 = arith.muli %scan3A_216, %mul3A_217 : i32
      %add3A_219 = arith.constant 2000 : i32
      %add3A_220 = arith.addi %add3A_219, %mul3A_218 : i32
      %get3A_221 = arith.index_cast %add3A_220 : i32 to index
      %get3A_222 = tpu.vector_load %arg5[%get3A_221] {strides = array<i32>} : memref<3200xi32, #tpu.memory_space<vmem>>, vector<16xi32>,
      %mul3A_223 = arith.constant 16 : i32
      %mul3A_224 = arith.muli %scan3A_216, %mul3A_223 : i32
      %add3A_225 = arith.addi %sub3A_54, %mul3A_224 : i32
      %add3A_226 = vector.broadcast %add3A_225 : i32 to vector<16xi32>
      %add3A_227 = arith.addi %add3A_226, %iota3A : vector<16xi32>
      %lt3A_228 = arith.constant 80 : i32
      %lt3A_229 = vector.broadcast %lt3A_228 : i32 to vector<16xi32>
      %lt3A_230 = arith.cmpi slt, %get3A_222, %lt3A_229 : vector<16xi32>
      %lt3A_231 = arith.constant 400 : i32
      %lt3A_232 = vector.broadcast %lt3A_231 : i32 to vector<16xi32>
      %lt3A_233 = arith.cmpi slt, %add3A_227, %lt3A_232 : vector<16xi32>
      %and3A_234 = arith.andi %lt3A_230, %lt3A_233 : vector<16xi1>
      %jit3A_235 = arith.constant 0 : i32
      %broadcast_in_dim3A_236 = vector.broadcast %jit3A_235 : i32 to vector<16xi32>
      %select_n3A_237 = arith.select %and3A_234, %get3A_222, %broadcast_in_dim3A_236 : vector<16xi1>, vector<16xi32>
      %min3A_238 = arith.constant 399 : i32
      %min3A_239 = vector.broadcast %min3A_238 : i32 to vector<16xi32>
      %min3A_240 = arith.minsi %add3A_227, %min3A_239 : vector<16xi32>
      %gather3A_241 = tpu.vector_load_idx %arg6[%min3A_240, %select_n3A_237] : memref<400x80xf32, #tpu.memory_space<vmem>>[vector<16xi32>, vector<16xi32>], vector<16xf32>,
      %jit3A_242 = arith.constant -4.000000e+01 : f32
      %broadcast_in_dim3A_243 = vector.broadcast %jit3A_242 : f32 to vector<16xf32>
      %select_n3A_244 = arith.select %and3A_234, %gather3A_241, %broadcast_in_dim3A_243 : vector<16xi1>, vector<16xf32>
      %mul3A_245 = arith.constant 16 : i32
      %mul3A_246 = arith.muli %scan3A_216, %mul3A_245 : i32
      %add3A_247 = arith.constant 2000 : i32
      %add3A_248 = arith.addi %add3A_247, %mul3A_246 : i32
      %swap3A_249 = arith.index_cast %add3A_248 : i32 to index
      %swap3A_250 = tpu.vector_load %arg7[%swap3A_249] {strides = array<i32>} : memref<3200xf32, #tpu.memory_space<vmem>>, vector<16xf32>,
      tpu.vector_store %arg7[%swap3A_249], %select_n3A_244 {strides = array<i32>} : memref<3200xf32, #tpu.memory_space<vmem>>, vector<16xf32>,
    }
    %scan3A_59 = arith.constant 25 : i32
    %add3A_60 = arith.constant 2400 : i32
    %add3A_61 = arith.addi %mul3A_2, %add3A_60 : i32
    %min3A_62 = arith.constant 99600 : i32
    %min3A_63 = arith.minsi %add3A_61, %min3A_62 : i32
    "tpu.region"() ({
      %run_scoped3A = tpu.sem_alloc : memref<!tpu.dma_semaphore, #tpu.memory_space<semaphore_mem>>
      %dma_start3A = arith.constant 0 : i32
      %dma_start3A_80 = tpu.memref_slice %arg2[%min3A_63, %dma_start3A] : memref<100000x80xf32, #tpu.memory_space<hbm>> -> memref<400x80xf32, #tpu.memory_space<hbm>>
      %dma_start3A_81 = arith.constant 0 : i32
      %dma_start3A_82 = tpu.memref_slice %arg2[%min3A_63, %dma_start3A_81] : memref<100000x80xf32, #tpu.memory_space<hbm>> -> memref<400x80xf32, #tpu.memory_space<hbm>>
      tpu.enqueue_dma source(%dma_start3A_82 : memref<400x80xf32, #tpu.memory_space<hbm>>) target(%arg6 : memref<400x80xf32, #tpu.memory_space<vmem>>) target_semaphore(%run_scoped3A : memref<!tpu.dma_semaphore, #tpu.memory_space<semaphore_mem>>)
      %dma_wait3A = arith.constant 0 : i32
      %dma_wait3A_83 = tpu.memref_slice %arg2[%min3A_63, %dma_wait3A] : memref<100000x80xf32, #tpu.memory_space<hbm>> -> memref<400x80xf32, #tpu.memory_space<hbm>>
      %dma_wait3A_84 = arith.constant 0 : i32
      %dma_wait3A_85 = tpu.memref_slice %arg2[%min3A_63, %dma_wait3A_84] : memref<100000x80xf32, #tpu.memory_space<hbm>> -> memref<400x80xf32, #tpu.memory_space<hbm>>
      tpu.wait_dma2 semaphore(%run_scoped3A : memref<!tpu.dma_semaphore, #tpu.memory_space<semaphore_mem>>) src(%dma_wait3A_85 : memref<400x80xf32, #tpu.memory_space<hbm>>) dst(%arg6 : memref<400x80xf32, #tpu.memory_space<vmem>>)
      tpu.yield
    }) : () -> ()
    %sub3A_64 = arith.subi %add3A_61, %min3A_63 : i32
    %scan3A_65 = arith.constant 0 : i32
    %scan3A_66 = arith.constant 25 : i32
    %scan3A_67 = arith.addi %scan3A_65, %scan3A_66 : i32
    %scan3A_68 = arith.constant 5 : i32
    scf.for %scan3A_80 = %scan3A_65 to %scan3A_67 step %scan3A_68  : i32 {
      %mul3A_81 = arith.constant 16 : i32
      %mul3A_82 = arith.muli %scan3A_80, %mul3A_81 : i32
      %add3A_83 = arith.constant 2400 : i32
      %add3A_84 = arith.addi %add3A_83, %mul3A_82 : i32
      %get3A = arith.index_cast %add3A_84 : i32 to index
      %get3A_85 = tpu.vector_load %arg5[%get3A] {strides = array<i32>} : memref<3200xi32, #tpu.memory_space<vmem>>, vector<16xi32>,
      %mul3A_86 = arith.constant 16 : i32
      %mul3A_87 = arith.muli %scan3A_80, %mul3A_86 : i32
      %add3A_88 = arith.addi %sub3A_64, %mul3A_87 : i32
      %add3A_89 = vector.broadcast %add3A_88 : i32 to vector<16xi32>
      %add3A_90 = arith.addi %add3A_89, %iota3A : vector<16xi32>
      %lt3A = arith.constant 80 : i32
      %lt3A_91 = vector.broadcast %lt3A : i32 to vector<16xi32>
      %lt3A_92 = arith.cmpi slt, %get3A_85, %lt3A_91 : vector<16xi32>
      %lt3A_93 = arith.constant 400 : i32
      %lt3A_94 = vector.broadcast %lt3A_93 : i32 to vector<16xi32>
      %lt3A_95 = arith.cmpi slt, %add3A_90, %lt3A_94 : vector<16xi32>
      %and3A = arith.andi %lt3A_92, %lt3A_95 : vector<16xi1>
      %jit3A = arith.constant 0 : i32
      %broadcast_in_dim3A = vector.broadcast %jit3A : i32 to vector<16xi32>
      %select_n3A = arith.select %and3A, %get3A_85, %broadcast_in_dim3A : vector<16xi1>, vector<16xi32>
      %min3A_96 = arith.constant 399 : i32
      %min3A_97 = vector.broadcast %min3A_96 : i32 to vector<16xi32>
      %min3A_98 = arith.minsi %add3A_90, %min3A_97 : vector<16xi32>
      %gather3A = tpu.vector_load_idx %arg6[%min3A_98, %select_n3A] : memref<400x80xf32, #tpu.memory_space<vmem>>[vector<16xi32>, vector<16xi32>], vector<16xf32>,
      %jit3A_99 = arith.constant -4.000000e+01 : f32
      %broadcast_in_dim3A_100 = vector.broadcast %jit3A_99 : f32 to vector<16xf32>
      %select_n3A_101 = arith.select %and3A, %gather3A, %broadcast_in_dim3A_100 : vector<16xi1>, vector<16xf32>
      %mul3A_102 = arith.constant 16 : i32
      %mul3A_103 = arith.muli %scan3A_80, %mul3A_102 : i32
      %add3A_104 = arith.constant 2400 : i32
      %add3A_105 = arith.addi %add3A_104, %mul3A_103 : i32
      %swap3A = arith.index_cast %add3A_105 : i32 to index
      %swap3A_106 = tpu.vector_load %arg7[%swap3A] {strides = array<i32>} : memref<3200xf32, #tpu.memory_space<vmem>>, vector<16xf32>,
      tpu.vector_store %arg7[%swap3A], %select_n3A_101 {strides = array<i32>} : memref<3200xf32, #tpu.memory_space<vmem>>, vector<16xf32>,
      %scan3A_107 = arith.constant 1 : i32
      %scan3A_108 = arith.addi %scan3A_80, %scan3A_107 : i32
      %mul3A_109 = arith.constant 16 : i32
      %mul3A_110 = arith.muli %scan3A_108, %mul3A_109 : i32
      %add3A_111 = arith.constant 2400 : i32
      %add3A_112 = arith.addi %add3A_111, %mul3A_110 : i32
      %get3A_113 = arith.index_cast %add3A_112 : i32 to index
      %get3A_114 = tpu.vector_load %arg5[%get3A_113] {strides = array<i32>} : memref<3200xi32, #tpu.memory_space<vmem>>, vector<16xi32>,
      %mul3A_115 = arith.constant 16 : i32
      %mul3A_116 = arith.muli %scan3A_108, %mul3A_115 : i32
      %add3A_117 = arith.addi %sub3A_64, %mul3A_116 : i32
      %add3A_118 = vector.broadcast %add3A_117 : i32 to vector<16xi32>
      %add3A_119 = arith.addi %add3A_118, %iota3A : vector<16xi32>
      %lt3A_120 = arith.constant 80 : i32
      %lt3A_121 = vector.broadcast %lt3A_120 : i32 to vector<16xi32>
      %lt3A_122 = arith.cmpi slt, %get3A_114, %lt3A_121 : vector<16xi32>
      %lt3A_123 = arith.constant 400 : i32
      %lt3A_124 = vector.broadcast %lt3A_123 : i32 to vector<16xi32>
      %lt3A_125 = arith.cmpi slt, %add3A_119, %lt3A_124 : vector<16xi32>
      %and3A_126 = arith.andi %lt3A_122, %lt3A_125 : vector<16xi1>
      %jit3A_127 = arith.constant 0 : i32
      %broadcast_in_dim3A_128 = vector.broadcast %jit3A_127 : i32 to vector<16xi32>
      %select_n3A_129 = arith.select %and3A_126, %get3A_114, %broadcast_in_dim3A_128 : vector<16xi1>, vector<16xi32>
      %min3A_130 = arith.constant 399 : i32
      %min3A_131 = vector.broadcast %min3A_130 : i32 to vector<16xi32>
      %min3A_132 = arith.minsi %add3A_119, %min3A_131 : vector<16xi32>
      %gather3A_133 = tpu.vector_load_idx %arg6[%min3A_132, %select_n3A_129] : memref<400x80xf32, #tpu.memory_space<vmem>>[vector<16xi32>, vector<16xi32>], vector<16xf32>,
      %jit3A_134 = arith.constant -4.000000e+01 : f32
      %broadcast_in_dim3A_135 = vector.broadcast %jit3A_134 : f32 to vector<16xf32>
      %select_n3A_136 = arith.select %and3A_126, %gather3A_133, %broadcast_in_dim3A_135 : vector<16xi1>, vector<16xf32>
      %mul3A_137 = arith.constant 16 : i32
      %mul3A_138 = arith.muli %scan3A_108, %mul3A_137 : i32
      %add3A_139 = arith.constant 2400 : i32
      %add3A_140 = arith.addi %add3A_139, %mul3A_138 : i32
      %swap3A_141 = arith.index_cast %add3A_140 : i32 to index
      %swap3A_142 = tpu.vector_load %arg7[%swap3A_141] {strides = array<i32>} : memref<3200xf32, #tpu.memory_space<vmem>>, vector<16xf32>,
      tpu.vector_store %arg7[%swap3A_141], %select_n3A_136 {strides = array<i32>} : memref<3200xf32, #tpu.memory_space<vmem>>, vector<16xf32>,
      %scan3A_143 = arith.constant 2 : i32
      %scan3A_144 = arith.addi %scan3A_80, %scan3A_143 : i32
      %mul3A_145 = arith.constant 16 : i32
      %mul3A_146 = arith.muli %scan3A_144, %mul3A_145 : i32
      %add3A_147 = arith.constant 2400 : i32
      %add3A_148 = arith.addi %add3A_147, %mul3A_146 : i32
      %get3A_149 = arith.index_cast %add3A_148 : i32 to index
      %get3A_150 = tpu.vector_load %arg5[%get3A_149] {strides = array<i32>} : memref<3200xi32, #tpu.memory_space<vmem>>, vector<16xi32>,
      %mul3A_151 = arith.constant 16 : i32
      %mul3A_152 = arith.muli %scan3A_144, %mul3A_151 : i32
      %add3A_153 = arith.addi %sub3A_64, %mul3A_152 : i32
      %add3A_154 = vector.broadcast %add3A_153 : i32 to vector<16xi32>
      %add3A_155 = arith.addi %add3A_154, %iota3A : vector<16xi32>
      %lt3A_156 = arith.constant 80 : i32
      %lt3A_157 = vector.broadcast %lt3A_156 : i32 to vector<16xi32>
      %lt3A_158 = arith.cmpi slt, %get3A_150, %lt3A_157 : vector<16xi32>
      %lt3A_159 = arith.constant 400 : i32
      %lt3A_160 = vector.broadcast %lt3A_159 : i32 to vector<16xi32>
      %lt3A_161 = arith.cmpi slt, %add3A_155, %lt3A_160 : vector<16xi32>
      %and3A_162 = arith.andi %lt3A_158, %lt3A_161 : vector<16xi1>
      %jit3A_163 = arith.constant 0 : i32
      %broadcast_in_dim3A_164 = vector.broadcast %jit3A_163 : i32 to vector<16xi32>
      %select_n3A_165 = arith.select %and3A_162, %get3A_150, %broadcast_in_dim3A_164 : vector<16xi1>, vector<16xi32>
      %min3A_166 = arith.constant 399 : i32
      %min3A_167 = vector.broadcast %min3A_166 : i32 to vector<16xi32>
      %min3A_168 = arith.minsi %add3A_155, %min3A_167 : vector<16xi32>
      %gather3A_169 = tpu.vector_load_idx %arg6[%min3A_168, %select_n3A_165] : memref<400x80xf32, #tpu.memory_space<vmem>>[vector<16xi32>, vector<16xi32>], vector<16xf32>,
      %jit3A_170 = arith.constant -4.000000e+01 : f32
      %broadcast_in_dim3A_171 = vector.broadcast %jit3A_170 : f32 to vector<16xf32>
      %select_n3A_172 = arith.select %and3A_162, %gather3A_169, %broadcast_in_dim3A_171 : vector<16xi1>, vector<16xf32>
      %mul3A_173 = arith.constant 16 : i32
      %mul3A_174 = arith.muli %scan3A_144, %mul3A_173 : i32
      %add3A_175 = arith.constant 2400 : i32
      %add3A_176 = arith.addi %add3A_175, %mul3A_174 : i32
      %swap3A_177 = arith.index_cast %add3A_176 : i32 to index
      %swap3A_178 = tpu.vector_load %arg7[%swap3A_177] {strides = array<i32>} : memref<3200xf32, #tpu.memory_space<vmem>>, vector<16xf32>,
      tpu.vector_store %arg7[%swap3A_177], %select_n3A_172 {strides = array<i32>} : memref<3200xf32, #tpu.memory_space<vmem>>, vector<16xf32>,
      %scan3A_179 = arith.constant 3 : i32
      %scan3A_180 = arith.addi %scan3A_80, %scan3A_179 : i32
      %mul3A_181 = arith.constant 16 : i32
      %mul3A_182 = arith.muli %scan3A_180, %mul3A_181 : i32
      %add3A_183 = arith.constant 2400 : i32
      %add3A_184 = arith.addi %add3A_183, %mul3A_182 : i32
      %get3A_185 = arith.index_cast %add3A_184 : i32 to index
      %get3A_186 = tpu.vector_load %arg5[%get3A_185] {strides = array<i32>} : memref<3200xi32, #tpu.memory_space<vmem>>, vector<16xi32>,
      %mul3A_187 = arith.constant 16 : i32
      %mul3A_188 = arith.muli %scan3A_180, %mul3A_187 : i32
      %add3A_189 = arith.addi %sub3A_64, %mul3A_188 : i32
      %add3A_190 = vector.broadcast %add3A_189 : i32 to vector<16xi32>
      %add3A_191 = arith.addi %add3A_190, %iota3A : vector<16xi32>
      %lt3A_192 = arith.constant 80 : i32
      %lt3A_193 = vector.broadcast %lt3A_192 : i32 to vector<16xi32>
      %lt3A_194 = arith.cmpi slt, %get3A_186, %lt3A_193 : vector<16xi32>
      %lt3A_195 = arith.constant 400 : i32
      %lt3A_196 = vector.broadcast %lt3A_195 : i32 to vector<16xi32>
      %lt3A_197 = arith.cmpi slt, %add3A_191, %lt3A_196 : vector<16xi32>
      %and3A_198 = arith.andi %lt3A_194, %lt3A_197 : vector<16xi1>
      %jit3A_199 = arith.constant 0 : i32
      %broadcast_in_dim3A_200 = vector.broadcast %jit3A_199 : i32 to vector<16xi32>
      %select_n3A_201 = arith.select %and3A_198, %get3A_186, %broadcast_in_dim3A_200 : vector<16xi1>, vector<16xi32>
      %min3A_202 = arith.constant 399 : i32
      %min3A_203 = vector.broadcast %min3A_202 : i32 to vector<16xi32>
      %min3A_204 = arith.minsi %add3A_191, %min3A_203 : vector<16xi32>
      %gather3A_205 = tpu.vector_load_idx %arg6[%min3A_204, %select_n3A_201] : memref<400x80xf32, #tpu.memory_space<vmem>>[vector<16xi32>, vector<16xi32>], vector<16xf32>,
      %jit3A_206 = arith.constant -4.000000e+01 : f32
      %broadcast_in_dim3A_207 = vector.broadcast %jit3A_206 : f32 to vector<16xf32>
      %select_n3A_208 = arith.select %and3A_198, %gather3A_205, %broadcast_in_dim3A_207 : vector<16xi1>, vector<16xf32>
      %mul3A_209 = arith.constant 16 : i32
      %mul3A_210 = arith.muli %scan3A_180, %mul3A_209 : i32
      %add3A_211 = arith.constant 2400 : i32
      %add3A_212 = arith.addi %add3A_211, %mul3A_210 : i32
      %swap3A_213 = arith.index_cast %add3A_212 : i32 to index
      %swap3A_214 = tpu.vector_load %arg7[%swap3A_213] {strides = array<i32>} : memref<3200xf32, #tpu.memory_space<vmem>>, vector<16xf32>,
      tpu.vector_store %arg7[%swap3A_213], %select_n3A_208 {strides = array<i32>} : memref<3200xf32, #tpu.memory_space<vmem>>, vector<16xf32>,
      %scan3A_215 = arith.constant 4 : i32
      %scan3A_216 = arith.addi %scan3A_80, %scan3A_215 : i32
      %mul3A_217 = arith.constant 16 : i32
      %mul3A_218 = arith.muli %scan3A_216, %mul3A_217 : i32
      %add3A_219 = arith.constant 2400 : i32
      %add3A_220 = arith.addi %add3A_219, %mul3A_218 : i32
      %get3A_221 = arith.index_cast %add3A_220 : i32 to index
      %get3A_222 = tpu.vector_load %arg5[%get3A_221] {strides = array<i32>} : memref<3200xi32, #tpu.memory_space<vmem>>, vector<16xi32>,
      %mul3A_223 = arith.constant 16 : i32
      %mul3A_224 = arith.muli %scan3A_216, %mul3A_223 : i32
      %add3A_225 = arith.addi %sub3A_64, %mul3A_224 : i32
      %add3A_226 = vector.broadcast %add3A_225 : i32 to vector<16xi32>
      %add3A_227 = arith.addi %add3A_226, %iota3A : vector<16xi32>
      %lt3A_228 = arith.constant 80 : i32
      %lt3A_229 = vector.broadcast %lt3A_228 : i32 to vector<16xi32>
      %lt3A_230 = arith.cmpi slt, %get3A_222, %lt3A_229 : vector<16xi32>
      %lt3A_231 = arith.constant 400 : i32
      %lt3A_232 = vector.broadcast %lt3A_231 : i32 to vector<16xi32>
      %lt3A_233 = arith.cmpi slt, %add3A_227, %lt3A_232 : vector<16xi32>
      %and3A_234 = arith.andi %lt3A_230, %lt3A_233 : vector<16xi1>
      %jit3A_235 = arith.constant 0 : i32
      %broadcast_in_dim3A_236 = vector.broadcast %jit3A_235 : i32 to vector<16xi32>
      %select_n3A_237 = arith.select %and3A_234, %get3A_222, %broadcast_in_dim3A_236 : vector<16xi1>, vector<16xi32>
      %min3A_238 = arith.constant 399 : i32
      %min3A_239 = vector.broadcast %min3A_238 : i32 to vector<16xi32>
      %min3A_240 = arith.minsi %add3A_227, %min3A_239 : vector<16xi32>
      %gather3A_241 = tpu.vector_load_idx %arg6[%min3A_240, %select_n3A_237] : memref<400x80xf32, #tpu.memory_space<vmem>>[vector<16xi32>, vector<16xi32>], vector<16xf32>,
      %jit3A_242 = arith.constant -4.000000e+01 : f32
      %broadcast_in_dim3A_243 = vector.broadcast %jit3A_242 : f32 to vector<16xf32>
      %select_n3A_244 = arith.select %and3A_234, %gather3A_241, %broadcast_in_dim3A_243 : vector<16xi1>, vector<16xf32>
      %mul3A_245 = arith.constant 16 : i32
      %mul3A_246 = arith.muli %scan3A_216, %mul3A_245 : i32
      %add3A_247 = arith.constant 2400 : i32
      %add3A_248 = arith.addi %add3A_247, %mul3A_246 : i32
      %swap3A_249 = arith.index_cast %add3A_248 : i32 to index
      %swap3A_250 = tpu.vector_load %arg7[%swap3A_249] {strides = array<i32>} : memref<3200xf32, #tpu.memory_space<vmem>>, vector<16xf32>,
      tpu.vector_store %arg7[%swap3A_249], %select_n3A_244 {strides = array<i32>} : memref<3200xf32, #tpu.memory_space<vmem>>, vector<16xf32>,
    }
    %scan3A_69 = arith.constant 25 : i32
    %add3A_70 = arith.constant 2800 : i32
    %add3A_71 = arith.addi %mul3A_2, %add3A_70 : i32
    %min3A_72 = arith.constant 99600 : i32
    %min3A_73 = arith.minsi %add3A_71, %min3A_72 : i32
    "tpu.region"() ({
      %run_scoped3A = tpu.sem_alloc : memref<!tpu.dma_semaphore, #tpu.memory_space<semaphore_mem>>
      %dma_start3A = arith.constant 0 : i32
      %dma_start3A_80 = tpu.memref_slice %arg2[%min3A_73, %dma_start3A] : memref<100000x80xf32, #tpu.memory_space<hbm>> -> memref<400x80xf32, #tpu.memory_space<hbm>>
      %dma_start3A_81 = arith.constant 0 : i32
      %dma_start3A_82 = tpu.memref_slice %arg2[%min3A_73, %dma_start3A_81] : memref<100000x80xf32, #tpu.memory_space<hbm>> -> memref<400x80xf32, #tpu.memory_space<hbm>>
      tpu.enqueue_dma source(%dma_start3A_82 : memref<400x80xf32, #tpu.memory_space<hbm>>) target(%arg6 : memref<400x80xf32, #tpu.memory_space<vmem>>) target_semaphore(%run_scoped3A : memref<!tpu.dma_semaphore, #tpu.memory_space<semaphore_mem>>)
      %dma_wait3A = arith.constant 0 : i32
      %dma_wait3A_83 = tpu.memref_slice %arg2[%min3A_73, %dma_wait3A] : memref<100000x80xf32, #tpu.memory_space<hbm>> -> memref<400x80xf32, #tpu.memory_space<hbm>>
      %dma_wait3A_84 = arith.constant 0 : i32
      %dma_wait3A_85 = tpu.memref_slice %arg2[%min3A_73, %dma_wait3A_84] : memref<100000x80xf32, #tpu.memory_space<hbm>> -> memref<400x80xf32, #tpu.memory_space<hbm>>
      tpu.wait_dma2 semaphore(%run_scoped3A : memref<!tpu.dma_semaphore, #tpu.memory_space<semaphore_mem>>) src(%dma_wait3A_85 : memref<400x80xf32, #tpu.memory_space<hbm>>) dst(%arg6 : memref<400x80xf32, #tpu.memory_space<vmem>>)
      tpu.yield
    }) : () -> ()
    %sub3A_74 = arith.subi %add3A_71, %min3A_73 : i32
    %scan3A_75 = arith.constant 0 : i32
    %scan3A_76 = arith.constant 25 : i32
    %scan3A_77 = arith.addi %scan3A_75, %scan3A_76 : i32
    %scan3A_78 = arith.constant 5 : i32
    scf.for %scan3A_80 = %scan3A_75 to %scan3A_77 step %scan3A_78  : i32 {
      %mul3A_81 = arith.constant 16 : i32
      %mul3A_82 = arith.muli %scan3A_80, %mul3A_81 : i32
      %add3A_83 = arith.constant 2800 : i32
      %add3A_84 = arith.addi %add3A_83, %mul3A_82 : i32
      %get3A = arith.index_cast %add3A_84 : i32 to index
      %get3A_85 = tpu.vector_load %arg5[%get3A] {strides = array<i32>} : memref<3200xi32, #tpu.memory_space<vmem>>, vector<16xi32>,
      %mul3A_86 = arith.constant 16 : i32
      %mul3A_87 = arith.muli %scan3A_80, %mul3A_86 : i32
      %add3A_88 = arith.addi %sub3A_74, %mul3A_87 : i32
      %add3A_89 = vector.broadcast %add3A_88 : i32 to vector<16xi32>
      %add3A_90 = arith.addi %add3A_89, %iota3A : vector<16xi32>
      %lt3A = arith.constant 80 : i32
      %lt3A_91 = vector.broadcast %lt3A : i32 to vector<16xi32>
      %lt3A_92 = arith.cmpi slt, %get3A_85, %lt3A_91 : vector<16xi32>
      %lt3A_93 = arith.constant 400 : i32
      %lt3A_94 = vector.broadcast %lt3A_93 : i32 to vector<16xi32>
      %lt3A_95 = arith.cmpi slt, %add3A_90, %lt3A_94 : vector<16xi32>
      %and3A = arith.andi %lt3A_92, %lt3A_95 : vector<16xi1>
      %jit3A = arith.constant 0 : i32
      %broadcast_in_dim3A = vector.broadcast %jit3A : i32 to vector<16xi32>
      %select_n3A = arith.select %and3A, %get3A_85, %broadcast_in_dim3A : vector<16xi1>, vector<16xi32>
      %min3A_96 = arith.constant 399 : i32
      %min3A_97 = vector.broadcast %min3A_96 : i32 to vector<16xi32>
      %min3A_98 = arith.minsi %add3A_90, %min3A_97 : vector<16xi32>
      %gather3A = tpu.vector_load_idx %arg6[%min3A_98, %select_n3A] : memref<400x80xf32, #tpu.memory_space<vmem>>[vector<16xi32>, vector<16xi32>], vector<16xf32>,
      %jit3A_99 = arith.constant -4.000000e+01 : f32
      %broadcast_in_dim3A_100 = vector.broadcast %jit3A_99 : f32 to vector<16xf32>
      %select_n3A_101 = arith.select %and3A, %gather3A, %broadcast_in_dim3A_100 : vector<16xi1>, vector<16xf32>
      %mul3A_102 = arith.constant 16 : i32
      %mul3A_103 = arith.muli %scan3A_80, %mul3A_102 : i32
      %add3A_104 = arith.constant 2800 : i32
      %add3A_105 = arith.addi %add3A_104, %mul3A_103 : i32
      %swap3A = arith.index_cast %add3A_105 : i32 to index
      %swap3A_106 = tpu.vector_load %arg7[%swap3A] {strides = array<i32>} : memref<3200xf32, #tpu.memory_space<vmem>>, vector<16xf32>,
      tpu.vector_store %arg7[%swap3A], %select_n3A_101 {strides = array<i32>} : memref<3200xf32, #tpu.memory_space<vmem>>, vector<16xf32>,
      %scan3A_107 = arith.constant 1 : i32
      %scan3A_108 = arith.addi %scan3A_80, %scan3A_107 : i32
      %mul3A_109 = arith.constant 16 : i32
      %mul3A_110 = arith.muli %scan3A_108, %mul3A_109 : i32
      %add3A_111 = arith.constant 2800 : i32
      %add3A_112 = arith.addi %add3A_111, %mul3A_110 : i32
      %get3A_113 = arith.index_cast %add3A_112 : i32 to index
      %get3A_114 = tpu.vector_load %arg5[%get3A_113] {strides = array<i32>} : memref<3200xi32, #tpu.memory_space<vmem>>, vector<16xi32>,
      %mul3A_115 = arith.constant 16 : i32
      %mul3A_116 = arith.muli %scan3A_108, %mul3A_115 : i32
      %add3A_117 = arith.addi %sub3A_74, %mul3A_116 : i32
      %add3A_118 = vector.broadcast %add3A_117 : i32 to vector<16xi32>
      %add3A_119 = arith.addi %add3A_118, %iota3A : vector<16xi32>
      %lt3A_120 = arith.constant 80 : i32
      %lt3A_121 = vector.broadcast %lt3A_120 : i32 to vector<16xi32>
      %lt3A_122 = arith.cmpi slt, %get3A_114, %lt3A_121 : vector<16xi32>
      %lt3A_123 = arith.constant 400 : i32
      %lt3A_124 = vector.broadcast %lt3A_123 : i32 to vector<16xi32>
      %lt3A_125 = arith.cmpi slt, %add3A_119, %lt3A_124 : vector<16xi32>
      %and3A_126 = arith.andi %lt3A_122, %lt3A_125 : vector<16xi1>
      %jit3A_127 = arith.constant 0 : i32
      %broadcast_in_dim3A_128 = vector.broadcast %jit3A_127 : i32 to vector<16xi32>
      %select_n3A_129 = arith.select %and3A_126, %get3A_114, %broadcast_in_dim3A_128 : vector<16xi1>, vector<16xi32>
      %min3A_130 = arith.constant 399 : i32
      %min3A_131 = vector.broadcast %min3A_130 : i32 to vector<16xi32>
      %min3A_132 = arith.minsi %add3A_119, %min3A_131 : vector<16xi32>
      %gather3A_133 = tpu.vector_load_idx %arg6[%min3A_132, %select_n3A_129] : memref<400x80xf32, #tpu.memory_space<vmem>>[vector<16xi32>, vector<16xi32>], vector<16xf32>,
      %jit3A_134 = arith.constant -4.000000e+01 : f32
      %broadcast_in_dim3A_135 = vector.broadcast %jit3A_134 : f32 to vector<16xf32>
      %select_n3A_136 = arith.select %and3A_126, %gather3A_133, %broadcast_in_dim3A_135 : vector<16xi1>, vector<16xf32>
      %mul3A_137 = arith.constant 16 : i32
      %mul3A_138 = arith.muli %scan3A_108, %mul3A_137 : i32
      %add3A_139 = arith.constant 2800 : i32
      %add3A_140 = arith.addi %add3A_139, %mul3A_138 : i32
      %swap3A_141 = arith.index_cast %add3A_140 : i32 to index
      %swap3A_142 = tpu.vector_load %arg7[%swap3A_141] {strides = array<i32>} : memref<3200xf32, #tpu.memory_space<vmem>>, vector<16xf32>,
      tpu.vector_store %arg7[%swap3A_141], %select_n3A_136 {strides = array<i32>} : memref<3200xf32, #tpu.memory_space<vmem>>, vector<16xf32>,
      %scan3A_143 = arith.constant 2 : i32
      %scan3A_144 = arith.addi %scan3A_80, %scan3A_143 : i32
      %mul3A_145 = arith.constant 16 : i32
      %mul3A_146 = arith.muli %scan3A_144, %mul3A_145 : i32
      %add3A_147 = arith.constant 2800 : i32
      %add3A_148 = arith.addi %add3A_147, %mul3A_146 : i32
      %get3A_149 = arith.index_cast %add3A_148 : i32 to index
      %get3A_150 = tpu.vector_load %arg5[%get3A_149] {strides = array<i32>} : memref<3200xi32, #tpu.memory_space<vmem>>, vector<16xi32>,
      %mul3A_151 = arith.constant 16 : i32
      %mul3A_152 = arith.muli %scan3A_144, %mul3A_151 : i32
      %add3A_153 = arith.addi %sub3A_74, %mul3A_152 : i32
      %add3A_154 = vector.broadcast %add3A_153 : i32 to vector<16xi32>
      %add3A_155 = arith.addi %add3A_154, %iota3A : vector<16xi32>
      %lt3A_156 = arith.constant 80 : i32
      %lt3A_157 = vector.broadcast %lt3A_156 : i32 to vector<16xi32>
      %lt3A_158 = arith.cmpi slt, %get3A_150, %lt3A_157 : vector<16xi32>
      %lt3A_159 = arith.constant 400 : i32
      %lt3A_160 = vector.broadcast %lt3A_159 : i32 to vector<16xi32>
      %lt3A_161 = arith.cmpi slt, %add3A_155, %lt3A_160 : vector<16xi32>
      %and3A_162 = arith.andi %lt3A_158, %lt3A_161 : vector<16xi1>
      %jit3A_163 = arith.constant 0 : i32
      %broadcast_in_dim3A_164 = vector.broadcast %jit3A_163 : i32 to vector<16xi32>
      %select_n3A_165 = arith.select %and3A_162, %get3A_150, %broadcast_in_dim3A_164 : vector<16xi1>, vector<16xi32>
      %min3A_166 = arith.constant 399 : i32
      %min3A_167 = vector.broadcast %min3A_166 : i32 to vector<16xi32>
      %min3A_168 = arith.minsi %add3A_155, %min3A_167 : vector<16xi32>
      %gather3A_169 = tpu.vector_load_idx %arg6[%min3A_168, %select_n3A_165] : memref<400x80xf32, #tpu.memory_space<vmem>>[vector<16xi32>, vector<16xi32>], vector<16xf32>,
      %jit3A_170 = arith.constant -4.000000e+01 : f32
      %broadcast_in_dim3A_171 = vector.broadcast %jit3A_170 : f32 to vector<16xf32>
      %select_n3A_172 = arith.select %and3A_162, %gather3A_169, %broadcast_in_dim3A_171 : vector<16xi1>, vector<16xf32>
      %mul3A_173 = arith.constant 16 : i32
      %mul3A_174 = arith.muli %scan3A_144, %mul3A_173 : i32
      %add3A_175 = arith.constant 2800 : i32
      %add3A_176 = arith.addi %add3A_175, %mul3A_174 : i32
      %swap3A_177 = arith.index_cast %add3A_176 : i32 to index
      %swap3A_178 = tpu.vector_load %arg7[%swap3A_177] {strides = array<i32>} : memref<3200xf32, #tpu.memory_space<vmem>>, vector<16xf32>,
      tpu.vector_store %arg7[%swap3A_177], %select_n3A_172 {strides = array<i32>} : memref<3200xf32, #tpu.memory_space<vmem>>, vector<16xf32>,
      %scan3A_179 = arith.constant 3 : i32
      %scan3A_180 = arith.addi %scan3A_80, %scan3A_179 : i32
      %mul3A_181 = arith.constant 16 : i32
      %mul3A_182 = arith.muli %scan3A_180, %mul3A_181 : i32
      %add3A_183 = arith.constant 2800 : i32
      %add3A_184 = arith.addi %add3A_183, %mul3A_182 : i32
      %get3A_185 = arith.index_cast %add3A_184 : i32 to index
      %get3A_186 = tpu.vector_load %arg5[%get3A_185] {strides = array<i32>} : memref<3200xi32, #tpu.memory_space<vmem>>, vector<16xi32>,
      %mul3A_187 = arith.constant 16 : i32
      %mul3A_188 = arith.muli %scan3A_180, %mul3A_187 : i32
      %add3A_189 = arith.addi %sub3A_74, %mul3A_188 : i32
      %add3A_190 = vector.broadcast %add3A_189 : i32 to vector<16xi32>
      %add3A_191 = arith.addi %add3A_190, %iota3A : vector<16xi32>
      %lt3A_192 = arith.constant 80 : i32
      %lt3A_193 = vector.broadcast %lt3A_192 : i32 to vector<16xi32>
      %lt3A_194 = arith.cmpi slt, %get3A_186, %lt3A_193 : vector<16xi32>
      %lt3A_195 = arith.constant 400 : i32
      %lt3A_196 = vector.broadcast %lt3A_195 : i32 to vector<16xi32>
      %lt3A_197 = arith.cmpi slt, %add3A_191, %lt3A_196 : vector<16xi32>
      %and3A_198 = arith.andi %lt3A_194, %lt3A_197 : vector<16xi1>
      %jit3A_199 = arith.constant 0 : i32
      %broadcast_in_dim3A_200 = vector.broadcast %jit3A_199 : i32 to vector<16xi32>
      %select_n3A_201 = arith.select %and3A_198, %get3A_186, %broadcast_in_dim3A_200 : vector<16xi1>, vector<16xi32>
      %min3A_202 = arith.constant 399 : i32
      %min3A_203 = vector.broadcast %min3A_202 : i32 to vector<16xi32>
      %min3A_204 = arith.minsi %add3A_191, %min3A_203 : vector<16xi32>
      %gather3A_205 = tpu.vector_load_idx %arg6[%min3A_204, %select_n3A_201] : memref<400x80xf32, #tpu.memory_space<vmem>>[vector<16xi32>, vector<16xi32>], vector<16xf32>,
      %jit3A_206 = arith.constant -4.000000e+01 : f32
      %broadcast_in_dim3A_207 = vector.broadcast %jit3A_206 : f32 to vector<16xf32>
      %select_n3A_208 = arith.select %and3A_198, %gather3A_205, %broadcast_in_dim3A_207 : vector<16xi1>, vector<16xf32>
      %mul3A_209 = arith.constant 16 : i32
      %mul3A_210 = arith.muli %scan3A_180, %mul3A_209 : i32
      %add3A_211 = arith.constant 2800 : i32
      %add3A_212 = arith.addi %add3A_211, %mul3A_210 : i32
      %swap3A_213 = arith.index_cast %add3A_212 : i32 to index
      %swap3A_214 = tpu.vector_load %arg7[%swap3A_213] {strides = array<i32>} : memref<3200xf32, #tpu.memory_space<vmem>>, vector<16xf32>,
      tpu.vector_store %arg7[%swap3A_213], %select_n3A_208 {strides = array<i32>} : memref<3200xf32, #tpu.memory_space<vmem>>, vector<16xf32>,
      %scan3A_215 = arith.constant 4 : i32
      %scan3A_216 = arith.addi %scan3A_80, %scan3A_215 : i32
      %mul3A_217 = arith.constant 16 : i32
      %mul3A_218 = arith.muli %scan3A_216, %mul3A_217 : i32
      %add3A_219 = arith.constant 2800 : i32
      %add3A_220 = arith.addi %add3A_219, %mul3A_218 : i32
      %get3A_221 = arith.index_cast %add3A_220 : i32 to index
      %get3A_222 = tpu.vector_load %arg5[%get3A_221] {strides = array<i32>} : memref<3200xi32, #tpu.memory_space<vmem>>, vector<16xi32>,
      %mul3A_223 = arith.constant 16 : i32
      %mul3A_224 = arith.muli %scan3A_216, %mul3A_223 : i32
      %add3A_225 = arith.addi %sub3A_74, %mul3A_224 : i32
      %add3A_226 = vector.broadcast %add3A_225 : i32 to vector<16xi32>
      %add3A_227 = arith.addi %add3A_226, %iota3A : vector<16xi32>
      %lt3A_228 = arith.constant 80 : i32
      %lt3A_229 = vector.broadcast %lt3A_228 : i32 to vector<16xi32>
      %lt3A_230 = arith.cmpi slt, %get3A_222, %lt3A_229 : vector<16xi32>
      %lt3A_231 = arith.constant 400 : i32
      %lt3A_232 = vector.broadcast %lt3A_231 : i32 to vector<16xi32>
      %lt3A_233 = arith.cmpi slt, %add3A_227, %lt3A_232 : vector<16xi32>
      %and3A_234 = arith.andi %lt3A_230, %lt3A_233 : vector<16xi1>
      %jit3A_235 = arith.constant 0 : i32
      %broadcast_in_dim3A_236 = vector.broadcast %jit3A_235 : i32 to vector<16xi32>
      %select_n3A_237 = arith.select %and3A_234, %get3A_222, %broadcast_in_dim3A_236 : vector<16xi1>, vector<16xi32>
      %min3A_238 = arith.constant 399 : i32
      %min3A_239 = vector.broadcast %min3A_238 : i32 to vector<16xi32>
      %min3A_240 = arith.minsi %add3A_227, %min3A_239 : vector<16xi32>
      %gather3A_241 = tpu.vector_load_idx %arg6[%min3A_240, %select_n3A_237] : memref<400x80xf32, #tpu.memory_space<vmem>>[vector<16xi32>, vector<16xi32>], vector<16xf32>,
      %jit3A_242 = arith.constant -4.000000e+01 : f32
      %broadcast_in_dim3A_243 = vector.broadcast %jit3A_242 : f32 to vector<16xf32>
      %select_n3A_244 = arith.select %and3A_234, %gather3A_241, %broadcast_in_dim3A_243 : vector<16xi1>, vector<16xf32>
      %mul3A_245 = arith.constant 16 : i32
      %mul3A_246 = arith.muli %scan3A_216, %mul3A_245 : i32
      %add3A_247 = arith.constant 2800 : i32
      %add3A_248 = arith.addi %add3A_247, %mul3A_246 : i32
      %swap3A_249 = arith.index_cast %add3A_248 : i32 to index
      %swap3A_250 = tpu.vector_load %arg7[%swap3A_249] {strides = array<i32>} : memref<3200xf32, #tpu.memory_space<vmem>>, vector<16xf32>,
      tpu.vector_store %arg7[%swap3A_249], %select_n3A_244 {strides = array<i32>} : memref<3200xf32, #tpu.memory_space<vmem>>, vector<16xf32>,
    }
    %scan3A_79 = arith.constant 25 : i32
    "tpu.region"() ({
      %run_scoped3A = tpu.sem_alloc : memref<!tpu.dma_semaphore, #tpu.memory_space<semaphore_mem>>
      %dma_start3A = arith.constant 0 : i32
      %dma_start3A_80 = tpu.memref_slice %arg4[%add3A, %dma_start3A] : memref<32x3200xf32, #tpu.memory_space<hbm>> -> memref<1x3200xf32, #tpu.memory_space<hbm>>
      %dma_start3A_81 = tpu.memref_squeeze %dma_start3A_80 : memref<1x3200xf32, #tpu.memory_space<hbm>> -> memref<3200xf32, #tpu.memory_space<hbm>>
      %dma_start3A_82 = arith.constant 0 : i32
      %dma_start3A_83 = tpu.memref_slice %arg4[%add3A, %dma_start3A_82] : memref<32x3200xf32, #tpu.memory_space<hbm>> -> memref<1x3200xf32, #tpu.memory_space<hbm>>
      %dma_start3A_84 = tpu.memref_squeeze %dma_start3A_83 : memref<1x3200xf32, #tpu.memory_space<hbm>> -> memref<3200xf32, #tpu.memory_space<hbm>>
      tpu.enqueue_dma source(%arg7 : memref<3200xf32, #tpu.memory_space<vmem>>) target(%dma_start3A_84 : memref<3200xf32, #tpu.memory_space<hbm>>) target_semaphore(%run_scoped3A : memref<!tpu.dma_semaphore, #tpu.memory_space<semaphore_mem>>)
      %dma_wait3A = arith.constant 0 : i32
      %dma_wait3A_85 = tpu.memref_slice %arg4[%add3A, %dma_wait3A] : memref<32x3200xf32, #tpu.memory_space<hbm>> -> memref<1x3200xf32, #tpu.memory_space<hbm>>
      %dma_wait3A_86 = tpu.memref_squeeze %dma_wait3A_85 : memref<1x3200xf32, #tpu.memory_space<hbm>> -> memref<3200xf32, #tpu.memory_space<hbm>>
      %dma_wait3A_87 = arith.constant 0 : i32
      %dma_wait3A_88 = tpu.memref_slice %arg4[%add3A, %dma_wait3A_87] : memref<32x3200xf32, #tpu.memory_space<hbm>> -> memref<1x3200xf32, #tpu.memory_space<hbm>>
      %dma_wait3A_89 = tpu.memref_squeeze %dma_wait3A_88 : memref<1x3200xf32, #tpu.memory_space<hbm>> -> memref<3200xf32, #tpu.memory_space<hbm>>
      tpu.wait_dma2 semaphore(%run_scoped3A : memref<!tpu.dma_semaphore, #tpu.memory_space<semaphore_mem>>) src(%arg7 : memref<3200xf32, #tpu.memory_space<vmem>>) dst(%dma_wait3A_89 : memref<3200xf32, #tpu.memory_space<hbm>>)
      tpu.yield
    }) : () -> ()
    return
  }
}

module attributes {stable_mosaic.version = 14 : i64} {
  func.func @_dense_sum_kernel(%arg0: i32, %arg1: memref<10000x80xf32, #tpu.memory_space<vmem>>, %arg2: memref<1x1xf32, #tpu.memory_space<vmem>>) attributes {dimension_semantics = [#tpu.dimension_semantics<arbitrary>], iteration_bounds = array<i64: 10>, scalar_prefetch = 0 : i64, scratch_operands = 0 : i64, tpu.core_type = #tpu.core_type<tc>, window_params = [{transform_indices = @transform_0, window_bounds = array<i64: 10000, 80>}, {pipeline_mode = #tpu.pipeline_mode<synchronous>, transform_indices = @transform_1, window_bounds = array<i64: 1, 1>}]} {
    %get3A = arith.constant 0 : index
    %get3A_0 = arith.constant 0 : index
    %get3A_1 = vector.load %arg1[%get3A, %get3A_0] : memref<10000x80xf32, #tpu.memory_space<vmem>>, vector<10000x80xf32>
    %mul3A = arith.constant 5.000000e-01 : f32
    %mul3A_2 = vector.broadcast %mul3A : f32 to vector<10000x80xf32>
    %mul3A_3 = arith.mulf %mul3A_2, %get3A_1 : vector<10000x80xf32>
    %tanh3A = math.tanh %mul3A_3 : vector<10000x80xf32>
    %mul3A_4 = arith.constant 5.000000e-01 : f32
    %mul3A_5 = vector.broadcast %mul3A_4 : f32 to vector<10000x80xf32>
    %mul3A_6 = arith.mulf %mul3A_5, %tanh3A : vector<10000x80xf32>
    %add3A = arith.constant 5.000000e-01 : f32
    %add3A_7 = vector.broadcast %add3A : f32 to vector<10000x80xf32>
    %add3A_8 = arith.addf %add3A_7, %mul3A_6 : vector<10000x80xf32>
    %sub3A = arith.constant 5.000000e-01 : f32
    %sub3A_9 = vector.broadcast %sub3A : f32 to vector<10000x80xf32>
    %sub3A_10 = arith.subf %sub3A_9, %mul3A_6 : vector<10000x80xf32>
    %mul3A_11 = arith.mulf %add3A_8, %add3A_8 : vector<10000x80xf32>
    %log3A = math.log %sub3A_10 : vector<10000x80xf32>
    %log3A_12 = arith.constant 2.000000e+00 : f32
    %log3A_13 = math.log %log3A_12 : f32
    %div3A = vector.broadcast %log3A_13 : f32 to vector<10000x80xf32>
    %div3A_14 = arith.divf %log3A, %div3A : vector<10000x80xf32>
    %mul3A_15 = arith.mulf %mul3A_11, %div3A_14 : vector<10000x80xf32>
    %reduce_sum3A = vector.shape_cast %mul3A_15 : vector<10000x80xf32> to vector<1x10000x80xf32>
    %reduce_sum3A_16 = arith.constant dense<0.000000e+00> : vector<1xf32>
    %reduce_sum3A_17 = vector.multi_reduction <add>, %reduce_sum3A, %reduce_sum3A_16 [1, 2] : vector<1x10000x80xf32> to vector<1xf32>
    %reduce_sum3A_18 = vector.shape_cast %reduce_sum3A_17 : vector<1xf32> to vector<1x1x1xf32>
    %reduce_sum3A_19 = vector.extract %reduce_sum3A_18[0, 0, 0] : f32 from vector<1x1x1xf32>
    %broadcast_in_dim3A = vector.broadcast %reduce_sum3A_19 : f32 to vector<1x1xf32>
    %eq3A = arith.constant 0 : i32
    %eq3A_20 = arith.cmpi eq, %arg0, %eq3A : i32
    %convert_element_type3A = arith.extui %eq3A_20 : i1 to i32
    %cond3A = arith.constant 0 : i32
    %cond3A_21 = arith.cmpi ne, %convert_element_type3A, %cond3A : i32
    scf.if %cond3A_21 {
      %broadcast_in_dim3A_28 = arith.constant 0.000000e+00 : f32
      %broadcast_in_dim3A_29 = vector.broadcast %broadcast_in_dim3A_28 : f32 to vector<1x1xf32>
      %swap3A_30 = arith.constant 0 : index
      %swap3A_31 = arith.constant 0 : index
      %swap3A_32 = vector.load %arg2[%swap3A_30, %swap3A_31] : memref<1x1xf32, #tpu.memory_space<vmem>>, vector<1x1xf32>
      tpu.vector_store %arg2[%swap3A_30, %swap3A_31], %broadcast_in_dim3A_29 {strides = array<i32>} : memref<1x1xf32, #tpu.memory_space<vmem>>, vector<1x1xf32>,
    } else {
    }
    %get3A_22 = arith.constant 0 : index
    %get3A_23 = arith.constant 0 : index
    %get3A_24 = vector.load %arg2[%get3A_22, %get3A_23] : memref<1x1xf32, #tpu.memory_space<vmem>>, vector<1x1xf32>
    %add3A_25 = arith.addf %get3A_24, %broadcast_in_dim3A : vector<1x1xf32>
    %swap3A = arith.constant 0 : index
    %swap3A_26 = arith.constant 0 : index
    %swap3A_27 = vector.load %arg2[%swap3A, %swap3A_26] : memref<1x1xf32, #tpu.memory_space<vmem>>, vector<1x1xf32>
    tpu.vector_store %arg2[%swap3A, %swap3A_26], %add3A_25 {strides = array<i32>} : memref<1x1xf32, #tpu.memory_space<vmem>>, vector<1x1xf32>,
    return
  }
  func.func @transform_0(%arg0: i32) -> (i32, i32) {
    %c0_i32 = arith.constant 0 : i32
    %c0_i32_0 = arith.constant 0 : i32
    return %arg0, %c0_i32 : i32, i32
  }
  func.func @transform_1(%arg0: i32) -> (i32, i32) {
    %c0_i32 = arith.constant 0 : i32
    %c0_i32_0 = arith.constant 0 : i32
    %c0_i32_1 = arith.constant 0 : i32
    return %c0_i32, %c0_i32_0 : i32, i32
  }
}

module attributes {stable_mosaic.version = 14 : i64} {
  func.func @_small_sum_kernel(%arg0: i32, %arg1: memref<32x3200xf32, #tpu.memory_space<vmem>>, %arg2: memref<1x1xf32, #tpu.memory_space<vmem>>) attributes {dimension_semantics = [#tpu.dimension_semantics<arbitrary>], iteration_bounds = array<i64: 1>, scalar_prefetch = 0 : i64, scratch_operands = 0 : i64, tpu.core_type = #tpu.core_type<tc>, window_params = [{pipeline_mode = #tpu.pipeline_mode<synchronous>, transform_indices = @transform_0, window_bounds = array<i64: 32, 3200>}, {pipeline_mode = #tpu.pipeline_mode<synchronous>, transform_indices = @transform_1, window_bounds = array<i64: 1, 1>}]} {
    %get3A = arith.constant 0 : index
    %get3A_0 = arith.constant 0 : index
    %get3A_1 = vector.load %arg1[%get3A, %get3A_0] : memref<32x3200xf32, #tpu.memory_space<vmem>>, vector<32x3200xf32>
    %mul3A = arith.constant 5.000000e-01 : f32
    %mul3A_2 = vector.broadcast %mul3A : f32 to vector<32x3200xf32>
    %mul3A_3 = arith.mulf %mul3A_2, %get3A_1 : vector<32x3200xf32>
    %tanh3A = math.tanh %mul3A_3 : vector<32x3200xf32>
    %mul3A_4 = arith.constant 5.000000e-01 : f32
    %mul3A_5 = vector.broadcast %mul3A_4 : f32 to vector<32x3200xf32>
    %mul3A_6 = arith.mulf %mul3A_5, %tanh3A : vector<32x3200xf32>
    %add3A = arith.constant 5.000000e-01 : f32
    %add3A_7 = vector.broadcast %add3A : f32 to vector<32x3200xf32>
    %add3A_8 = arith.addf %add3A_7, %mul3A_6 : vector<32x3200xf32>
    %sub3A = arith.constant 5.000000e-01 : f32
    %sub3A_9 = vector.broadcast %sub3A : f32 to vector<32x3200xf32>
    %sub3A_10 = arith.subf %sub3A_9, %mul3A_6 : vector<32x3200xf32>
    %mul3A_11 = arith.mulf %add3A_8, %add3A_8 : vector<32x3200xf32>
    %log3A = math.log %sub3A_10 : vector<32x3200xf32>
    %log3A_12 = arith.constant 2.000000e+00 : f32
    %log3A_13 = math.log %log3A_12 : f32
    %div3A = vector.broadcast %log3A_13 : f32 to vector<32x3200xf32>
    %div3A_14 = arith.divf %log3A, %div3A : vector<32x3200xf32>
    %mul3A_15 = arith.mulf %mul3A_11, %div3A_14 : vector<32x3200xf32>
    %reduce_sum3A = vector.shape_cast %mul3A_15 : vector<32x3200xf32> to vector<1x32x3200xf32>
    %reduce_sum3A_16 = arith.constant dense<0.000000e+00> : vector<1xf32>
    %reduce_sum3A_17 = vector.multi_reduction <add>, %reduce_sum3A, %reduce_sum3A_16 [1, 2] : vector<1x32x3200xf32> to vector<1xf32>
    %reduce_sum3A_18 = vector.shape_cast %reduce_sum3A_17 : vector<1xf32> to vector<1x1x1xf32>
    %reduce_sum3A_19 = vector.extract %reduce_sum3A_18[0, 0, 0] : f32 from vector<1x1x1xf32>
    %broadcast_in_dim3A = vector.broadcast %reduce_sum3A_19 : f32 to vector<1x1xf32>
    %swap3A = arith.constant 0 : index
    %swap3A_20 = arith.constant 0 : index
    %swap3A_21 = vector.load %arg2[%swap3A, %swap3A_20] : memref<1x1xf32, #tpu.memory_space<vmem>>, vector<1x1xf32>
    tpu.vector_store %arg2[%swap3A, %swap3A_20], %broadcast_in_dim3A {strides = array<i32>} : memref<1x1xf32, #tpu.memory_space<vmem>>, vector<1x1xf32>,
    return
  }
  func.func @transform_0(%arg0: i32) -> (i32, i32) {
    %c0_i32 = arith.constant 0 : i32
    %c0_i32_0 = arith.constant 0 : i32
    %c0_i32_1 = arith.constant 0 : i32
    return %c0_i32, %c0_i32_0 : i32, i32
  }
  func.func @transform_1(%arg0: i32) -> (i32, i32) {
    %c0_i32 = arith.constant 0 : i32
    %c0_i32_0 = arith.constant 0 : i32
    %c0_i32_1 = arith.constant 0 : i32
    return %c0_i32, %c0_i32_0 : i32, i32
  }
}

</mosaic_0001>

<sc_bundles>
// kernel: kernel.5.cloned.1.call-start
scs
__scs_entry_jumppad:
0x0: {  	(pc) =	sbr.rel $0x88, $3  }
0x1: {  	(tag) =	ssettag $0x0;
	lr =	simm.s32 $0x1  }
0x2: {  	[smem:$0x3F9F] =	sst lr;
	_ =	strace $0xD0000000  }
0x3: {  	_ = 	snop  }
0x4: {  	_ = 	snop  }
0x5: {  	_ = 	snop  }
0x6: {  	_ = 	snop  }
0x7: {  	_ = 	snop  }
__scs_overlays_trampoline_lowered:
0x8: {  	[smem:$0x3FAE] =	sst s0  }
0x9: {  	[smem:$0x3FAF] =	sst s1  }
0xa: {  	[smem:$0x3FB0] =	sst s2  }
0xb: {  	[smem:$0x3FB1] =	sst s3  }
0xc: {  	[smem:$0x3FB2] =	sst s4  }
0xd: {  	[smem:$0x3FB3] =	sst s5  }
0xe: {  	[smem:$0x3FB4] =	sst s6  }
0xf: {  	[smem:$0x3FB5] =	sst s7  }
0x10: {  	[smem:$0x3FB6] =	sst s8  }
0x11: {  	[smem:$0x3FB7] =	sst s9;
	s0 =	simm.s32 @!p0 $0x0  }
0x12: {  	s1 =	sld [smem:$0x3F9D];
	s0 =	simm.s32 @p0 $0x1  }
0x13: {  	[smem:$0x3FB8] =	sst s0;
	s0 =	simm.s32 @!p1 $0x0  }
0x14: {  	s2 =	sld [smem:$0x3F9C];
	s0 =	simm.s32 @p1 $0x1  }
0x15: {  	[smem:$0x3FB9] =	sst s0;
	s0 =	simm.s32 @!p2 $0x0  }
0x16: {  	s3 =	sld [smem:$0x3FDB];
	s0 =	simm.s32 @p2 $0x1  }
0x17: {  	s4 =	simm.s32 $0x1BF5;
	[smem:$0x3FBB] =	sst s0  }
0x18: {  	s0 =	sld [smem:$0x3F9E];
	_ =	swait.ge [sflag:s4], $0x0  }
0x19: {  	s7 =	sld [smem:$0x3F9F]  }
0x1a: {  	s8 =	sadd.s32 $0xFFFFE003, lr  }
0x1b: {  	s9 =	sadd.s32 $0xFFFFFEF7, lr;
	s5 =	simm.s32 $0xFFFFFFFF;
	p2 =	slt.u32 s8, $0xFFFFF086  }
0x1c: {  	p1 =	slt.u32 s9, $0xF7A;
	s5 =	simm.s32 @!p2 $0x0  }
0x1d: {  	s5 =	simm.s32 @p1 $0x1;
	p0 =	seq.s32 s7, s2  }
0x1e: {  	s7 =	smul.u32 @!p0 $0xF7A, s2;
	p2 =	seq.s32 @!p0 s5, $0x0  }
0x1f: {  	s9 =	smul.u32 $0xF7A, s1;
	s8 =	simm.s32 @!p0 $0x1BF5;
	p2 =	por !p2, p0  }
0x20: {  	[sflag:s8] =	ssyncset.s32 @!p0 $0xFFFFF086;
	s6 =	sadd.s32 @!p0 s3, s7;
	s7 =	simm.s32 @!p0 $0x108  }
0x21: {  	s3 =	sadd.s32 s3, s9;
	s6 =	sadd.s32 @!p0 $0x88, s6;
	s7 =	simm.s32 @p2 $0x1082  }
0x22: {  	[simem:s7], [sflag:s8] =	dma.local @!p0 [hbm:s6], $0xF7A  }
0x23: {  	s9 =	sor.u32 $0xD0000000, s2;
	s6 =	simm.s32 $0x108;
	_ =	swait.ge @!p0 [sflag:s8], $0x0  }
0x24: {  	s3 =	sadd.s32 $0x88, s3;
	s6 =	simm.s32 @!p1 $0x1082;
	[sflag:s4] =	ssyncset.s32 $0xFFFFF086  }
0x25: {  	[simem:s6], [sflag:s4] =	dma.local [hbm:s3], $0xF7A  }
0x26: {  	[smem:$0x3F9F] =	sst s1;
	(tag) =	ssettag s2;
	_ =	strace s9  }
0x27: {  	s1 =	sld [smem:$0x3FAF]  }
0x28: {  	s2 =	sld [smem:$0x3FB0]  }
0x29: {  	s4 =	sld [smem:$0x3FB2]  }
0x2a: {  	p0 =	seq.s32 s5, $0x0;
	s5 =	sld [smem:$0x3FB3]  }
0x2b: {  	s6 =	sld [smem:$0x3FB4]  }
0x2c: {  	s7 =	sld [smem:$0x3FB5]  }
0x2d: {  	s3 =	simm.s32 $0x108;
	s8 =	sld [smem:$0x3FB6]  }
0x2e: {  	s3 =	simm.s32 @!p0 $0x1082;
	s9 =	sld [smem:$0x3FB7]  }
0x2f: {  	lr =	sadd.s32 s0, s3;
	s0 =	sld [smem:$0x3FAE]  }
0x30: {  	s3 =	sld [smem:$0x3FB1]  }
0x31: {  	[smem:$0x3FBA] =	sst s10  }
0x32: {  	s10 =	sld [smem:$0x3FB8];
	_ =	sdelay $0x3  }
0x33: {  	p0 =	seq.s32 s10, $0x1;
	s10 =	sld [smem:$0x3FBA];
	_ =	sdelay $0x3  }
0x34: {  	[smem:$0x3FBA] =	sst s10  }
0x35: {  	s10 =	sld [smem:$0x3FB9];
	_ =	sdelay $0x3  }
0x36: {  	p1 =	seq.s32 s10, $0x1;
	s10 =	sld [smem:$0x3FBA];
	_ =	sdelay $0x3  }
0x37: {  	[smem:$0x3FBA] =	sst s10  }
0x38: {  	s10 =	sld [smem:$0x3FBB]  }
0x39: {  	_ = 	snop;
	(pc) =	sbr.ind lr, $3  }
0x3a: {  	_ = 	snop  }
0x3b: {  	_ = 	snop  }
0x3c: {  	p2 =	seq.s32 s10, $0x1;
	s10 =	sld [smem:$0x3FBA]  }
0x3d: {  	_ =	shalt  }
0x3e: {  	_ =	shalt  }
0x3f: {  	_ =	shalt  }
0x40: {  	_ =	shalt  }
0x41: {  	_ =	shalt  }
0x42: {  	_ =	shalt  }
0x43: {  	_ =	shalt  }
0x44: {  	_ =	shalt  }
0x45: {  	_ =	shalt  }
0x46: {  	_ =	shalt  }
0x47: {  	_ =	shalt  }
0x48: {  	_ =	shalt  }
0x49: {  	_ =	shalt  }
0x4a: {  	_ =	shalt  }
0x4b: {  	_ =	shalt  }
0x4c: {  	_ =	shalt  }
0x4d: {  	_ =	shalt  }
0x4e: {  	_ =	shalt  }
0x4f: {  	_ =	shalt  }
0x50: {  	_ =	shalt  }
0x51: {  	_ =	shalt  }
0x52: {  	_ =	shalt  }
0x53: {  	_ =	shalt  }
0x54: {  	_ =	shalt  }
0x55: {  	_ =	shalt  }
0x56: {  	_ =	shalt  }
0x57: {  	_ =	shalt  }
0x58: {  	_ =	shalt  }
0x59: {  	_ =	shalt  }
0x5a: {  	_ =	shalt  }
0x5b: {  	_ =	shalt  }
0x5c: {  	_ =	shalt  }
0x5d: {  	_ =	shalt  }
0x5e: {  	_ =	shalt  }
0x5f: {  	_ =	shalt  }
0x60: {  	_ =	shalt  }
0x61: {  	_ =	shalt  }
0x62: {  	_ =	shalt  }
0x63: {  	_ =	shalt  }
0x64: {  	_ =	shalt  }
0x65: {  	_ =	shalt  }
0x66: {  	_ =	shalt  }
0x67: {  	_ =	shalt  }
0x68: {  	_ =	shalt  }
0x69: {  	_ =	shalt  }
0x6a: {  	_ =	shalt  }
0x6b: {  	_ =	shalt  }
0x6c: {  	_ =	shalt  }
0x6d: {  	_ =	shalt  }
0x6e: {  	_ =	shalt  }
0x6f: {  	_ =	shalt  }
0x70: {  	_ =	shalt  }
0x71: {  	_ =	shalt  }
0x72: {  	_ =	shalt  }
0x73: {  	_ =	shalt  }
0x74: {  	_ =	shalt  }
0x75: {  	_ =	shalt  }
0x76: {  	_ =	shalt  }
0x77: {  	_ =	shalt  }
0x78: {  	_ =	shalt  }
0x79: {  	_ =	shalt  }
0x7a: {  	_ =	shalt  }
0x7b: {  	_ =	shalt  }
0x7c: {  	_ =	shalt  }
0x7d: {  	_ =	shalt  }
0x7e: {  	_ =	shalt  }
0x7f: {  	_ =	shalt  }
0x80: {  	_ =	shalt  }
0x81: {  	_ =	shalt  }
0x82: {  	_ =	shalt  }
0x83: {  	_ =	shalt  }
0x84: {  	_ =	shalt  }
0x85: {  	_ =	shalt  }
0x86: {  	_ =	shalt  }
0x87: {  	_ =	shalt  }
.Lfunc_end0:
.L_simem_size_0:
called_computation_lowered:
.L_overlay_start_0:
0x88: {  	s2 =	sld [smem:$0x3FD9]  }
0x89: {  	s3 =	sld [smem:$0x3FFE];
	_ =	sdelay $0x1  }
0x8a: {  	s1 =	srdreg.scid  }
0x8b: {  	s0 =	sand.u32 $0x1, s1  }
0x8c: {  	s16 =	sshll.u32 s0, $0xA;
	s2 =	sadd.s32 s3, s2  }
0x8d: {  	s2 =	sadd.s32 s2, s16  }
0x8e: {  	[smem:$0x3FC6] =	sst s2  }
0x8f: {  	_ = 	snop  }
0x90: {  	(tm) =	ssettm $0x1  }
0x91: {  	s17 =	sld [smem:$0x3FFB];
	_ =	sdelay $0x3  }
0x92: {  	_ =	strace s17  }
0x93: {  	s2 =	sld [smem:$0x3FFC];
	_ =	sdelay $0x3  }
0x94: {  	_ =	strace s2  }
0x95: {  	s2 =	sld [smem:$0x3FFD];
	_ =	sdelay $0x3  }
0x96: {  	_ =	strace s2  }
0x97: {  	_ =	strace $0x8FFFFFFF  }
0x98: {  	s18 =	sld [smem:$0x3FDB];
	_ =	sdelay $0x1  }
0x99: {  	s19 =	simm.s32 $_scs_section_size  }
0x9a: {  	s4 =	simm.s32 $_size__tile_overlayer_lowered;
	s5 =	simm.s32 $_tile_overlayer_lowered  }
0x9b: {  	s22 =	simm.s32 $0x1BFF;
	s21 =	sshll.u32 s5, $0x1;
	s2 =	sadd.s32 s19, s18  }
0x9c: {  	s6 =	simm.s32 $0x0;
	s20 =	sshll.u32 s4, $0x1;
	s4 =	sadd.s32 s21, s2  }
0x9d: {  	[timem:s6], [sflag:s22] =	dma.local [hbm:s4], s20  }
0x9e: {  	_ =	swait.ge [sflag:s22], s20  }
0x9f: {  	s3 =	ssub.s32 $0x0, s20;
	[sflag:s22] =	ssyncset.done $0x0  }
0xa0: {  	[sflag:s22] =	ssyncadd.s32 s3;
	_ =	sdelay $0x1  }
0xa1: {  	s23 =	simm.s32 $0x1B8B  }
0xa2: {  	_ =	swait.ge [sflag:s23], $0x1  }
0xa3: {  	[sflag:s23] =	ssyncset.done $0x0  }
0xa4: {  	s25 =	simm.s32 $0x1B8E;
	s24 =	sld [smem:$0x3FFE];
	[sflag:s23] =	ssyncadd.s32 $0xFFFFFFFF  }
0xa5: {  	s26 =	simm.s32 $execute0_lowered;
	[smem:$0x3FD2] =	sst s25  }
0xa6: {  	s4 =	sshll.u32 s26, $0x1;
	_ =	strace $0x80000046;
	[dreg:$0x1] =	wrdreg $0xFFFFFFFF  }
0xa7: {  	s28 =	simm.s32 $_size_execute0_lowered;
	s2 =	sadd.s32 s2, s4;
	[dreg:$0x0] =	wrdreg $0x0  }
0xa8: {  	s4 =	sshll.u32 s28, $0x1;
	[dreg:$0x2] =	wrdreg s2  }
0xa9: {  	[dreg:$0x3] =	wrdreg s4  }
0xaa: {  	[dreg:$0x4] =	wrdreg $0xC0  }
0xab: {  	_ =	task [dreg:s6], $0x5FFFF  }
0xac: {  	[dreg:$0x1] =	wrdreg $0xFFFFFFFF  }
0xad: {  	[dreg:$0x0] =	wrdreg $0x60  }
0xae: {  	[dreg:$0x2] =	wrdreg s24  }
0xaf: {  	[dreg:$0x3] =	wrdreg $0x9  }
0xb0: {  	_ =	task.clear_ibuf [dreg:s6], $0x4FFFF;
	_ =	strace $0x90000046  }
0xb1: {  	s29 =	simm.s32 $0x9;
	_ =	strace $0x80000048  }
0xb2: {  	_ =	swait.ge [sflag:s29], $0x1  }
0xb3: {  	[sflag:s29] =	ssyncadd.s32 $0xFFFFFFFF  }
0xb4: {  	_ =	strace $0x90000048  }
0xb5: {  	_ =	sfence  }
0xb6: {  	s30 =	sld [smem:$0x0];
	_ =	sdelay $0x2  }
0xb7: {  	s31 =	sshll.u32 s1, $0xD;
	s1 =	sshrl.u32 s1, $0x2  }
0xb8: {  	s3 =	sand.u32 $0x4000, s31;
	s1 =	sadd.s32 s1, s30  }
0xb9: {  	s0 =	sor.u32 s3, s0;
	s1 =	sshll.u32 s1, $0x11  }
0xba: {  	s0 =	sor.u32 s1, s0  }
0xbb: {  	s0 =	sadd.s32 $0x8F2B, s0  }
0xbc: {  	[sflag:s0] =	ssyncadd.remote.s32 $0x1  }
0xbd: {  	_ =	sfence.sel $0xFFFF  }
0xbe: {  	[dreg:$0x0] =	wrdreg $0xFFFFFFFF;
	(pc) =	sbr.abs _section_cstart, $3  }
0xbf: {  	[dreg:$0x1] =	wrdreg $0xFFFFFFFF  }
0xc0: {  	_ =	task.clear_ibuf [dreg:s6], $0x2FFFF;
	_ =	strace $0x9FFFFFFF  }
0xc1: {  	(tm) =	ssettm $0x7FFFFFFF  }
tec
execute0_lowered:
.L_overlay_start_1:
0x0: {  	(tag) =	ssettag $0x1  }
0x1: {  	s1 =	srdreg.scid;
	s0 =	stileid.u32  }
0x2: {  	s3 =	rddreg [dreg:$0x0];
	s21 =	simm.s32 $0xC80;
	s9 =	sand.u32 $0x1, s1  }
0x3: {  	s2 =	sshll.u32 s0, $0x1;
	s5 =	sshrl.u32 s0, $0x2;
	s16 =	smul.u32 $0x1900, s0  }
0x4: {  	s11 =	sadd.s32 $0x800, s3;
	s4 =	sor.u32 s9, s2;
	s5 =	smul.u32 $0x6400, s5  }
0x5: {  	s2 =	simm.s32 $0x0;
	s22 =	ssub.s32 $0x2, s9;
	s17 =	smul.u32 $0xC80, s9  }
0x6: {  	s10 =	smul.u32 $0xC80, s4;
	[smem:$0x7FF] =	sst s2;
	s6 =	sshll.u32 s4, $0x7  }
0x7: {  	s4 =	smul.u32 $0xC800, s4;
	s23 =	sshrl.u32 s22, $0x1;
	_ =	strace $0x80000047  }
0x8: {  	s6 =	sand.u32 $0x380, s6;
	s13 =	ssub.s32 s22, s23;
	s19 =	sadd.s32 s17, s16  }
0x9: {  	s22 =	simm.s32 $0x80;
	s23 =	simm.s32 $0x400;
	s7 =	sshrl.u32 s10, $0x3  }
0xa: {  	s5 =	sor.u32 s5, s6;
	s24 =	sadd.s32 $0x320, s10;
	s25 =	sadd.s32 $0x4B0, s10  }
0xb: {  	s8 =	sadd.s32 $0x640, s10;
	s14 =	sadd.s32 $0x7D0, s10;
	s15 =	sadd.s32 $0x960, s10  }
0xc: {  	s10 =	sadd.s32 $0xAF0, s10;
	s30 =	sadd.s32 $0x320, s19;
	s13 =	smax.u32 s13, $0x1  }
0xd: {  	s31 =	sadd.s32 $0x4B0, s19;
	s16 =	sadd.s32 $0x640, s19;
	s17 =	sadd.s32 $0x7D0, s19  }
0xe: {  	s18 =	sadd.s32 $0x960, s19;
	s20 =	sadd.s32 $0xAF0, s19;
	s5 =	sshrl.u32 s5, $0x3  }
0xf: {  	s7 =	sadd.s32 s7, s3;
	s6 =	smin.u32 s24, $0x18510;
	s8 =	smin.u32 s8, $0x18510  }
0x10: {  	s14 =	smin.u32 s14, $0x18510;
	s15 =	smin.u32 s15, $0x18510;
	s28 =	smin.u32 s10, $0x18510  }
0x11: {  	s16 =	smin.u32 s16, $0x18510;
	s17 =	smin.u32 s17, $0x18510;
	s18 =	smin.u32 s18, $0x18510  }
0x12: {  	s20 =	smin.u32 s20, $0x18510;
	s24 =	simm.s32 $0xD480;
	s12 =	sadd.s32 s5, s3  }
0x13: {  	s3 =	sadd.s32 s11, s4;
	s4 =	sadd.s32 $0x187200, s7;
	s6 =	sshll.u32 s6, $0x4  }
0x14: {  	s7 =	smin.u32 s25, $0x18510;
	s8 =	sshll.u32 s8, $0x4;
	s14 =	sshll.u32 s14, $0x4  }
0x15: {  	s26 =	sshll.u32 s15, $0x4;
	s29 =	sshll.u32 s28, $0x4;
	s15 =	smin.u32 s31, $0x18510  }
0x16: {  	s16 =	ssub.s32 s19, s16;
	s17 =	ssub.s32 s19, s17;
	s18 =	ssub.s32 s19, s18  }
0x17: {  	s25 =	simm.s32 $0x0;
	s5 =	sadd.s32 $0x1900, s3;
	s6 =	sadd.s32 s11, s6  }
0x18: {  	s7 =	sshll.u32 s7, $0x4;
	s8 =	sadd.s32 s11, s8;
	s9 =	sadd.s32 s11, s14  }
0x19: {  	s10 =	sadd.s32 s11, s26;
	s12 =	sadd.s32 $0x18A400, s12;
	s14 =	smin.u32 s30, $0x18510  }
0x1a: {  	s15 =	ssub.s32 s19, s15;
	s17 =	sadd.s32 $0x810, s17;
	s7 =	sadd.s32 s11, s7  }
0x1b: {  	s11 =	sadd.s32 s11, s29;
	s14 =	ssub.s32 s19, s14;
	s15 =	sadd.s32 $0x4F0, s15  }
0x1c: {  	v0 =	vlaneseq.u32;
	s19 =	ssub.s32 s19, s20;
	s20 =	simm.s32 $0x1;
	s14 =	sadd.s32 $0x360, s14  }
.LBB2_1:
0x1d: {  	[tilespmem:s2], [sflag:$0x1] =	stream.linear.gather [hbm4b:s4+s2], $0xC80, $0x38;
	[tilespmem:$0xE100] =	vst v63  }
0x1e: {  	_ =	swait.ge [sflag:s20], $0xC80  }
0x1f: {  	[sflag:s20] =	ssyncset.done $0x0  }
0x20: {  	[sflag:s20] =	ssyncadd.s32 $0xFFFFF380  }
0x21: {  	[tilespmem:s21], [sflag:$0x1] =	stream.linear.gather [hbm4b:s3+s2], $0xC800, $0x38;
	[tilespmem:$0xE100] =	vst v63  }
0x22: {  	_ =	swait.ge [sflag:s20], $0xC800  }
0x23: {  	s26 =	simm.s32 $0xFFFFFFFB;
	s28 =	simm.s32 $0xD4A0;
	[sflag:s20] =	ssyncset.done $0x0  }
0x24: {  	s29 =	simm.s32 $0x20;
	s30 =	simm.s32 $0x0;
	[sflag:s20] =	ssyncadd.s32 $0xFFFF3800  }
.LBB2_2:
0x25: {  	v1 =	vld [tilespmem:s29+$0xFFFFFFE0];
	_ =	sdelay $0x3  }
0x26: {  	v2 =	vmov s30  }
0x27: {  	v3 =	vor.u32 s30, v0;
	vm1 =	vlt.u32 v2, $0x190;
	vm0 =	vlt.s32 v1, $0x50  }
0x28: {  	vm15 =	vlt.s32 v3, $0x18F;
	vm0 =	vmand vm1, vm0  }
0x29: {  	v2 =	vnsel vm15, $0x18F, v3;
	v1 =	vnsel vm0, $0x0, v1  }
0x2a: {  	v2 =	vshll.u32 v2, $0x7;
	v3 =	vand.u32 $0xFFFFFF80, v1  }
0x2b: {  	v1 =	vand.u32 $0x7F, v1;
	v2 =	vadd.s32 v2, v3  }
0x2c: {  	v1 =	vor.u32 v1, v2;
	_ =	sdelay $0x4  }
0x2d: {  	v1 =	vld.idx.msk [tilespmem:v1+s21+$0x0], $0xffff;
	_ =	sdelay $0x4  }
0x2e: {  	v1 =	vnsel vm0, $0xC2200000, v1  }
0x2f: {  	[tilespmem:s28+$0xFFFFFFE0] =	vst v1  }
0x30: {  	v1 =	vld [tilespmem:s29+$0xFFFFFFF0];
	_ =	sdelay $0x2  }
0x31: {  	s31 =	sadd.s32 $0x10, s30  }
0x32: {  	v2 =	vmov s31  }
0x33: {  	v3 =	vor.u32 s31, v0;
	vm5 =	vlt.u32 v2, $0x190;
	vm4 =	vlt.s32 v1, $0x50  }
0x34: {  	vm6 =	vlt.s32 v3, $0x18F;
	vm0 =	vmand vm5, vm4  }
0x35: {  	v2 =	vnsel vm6, $0x18F, v3;
	v1 =	vnsel vm0, $0x0, v1  }
0x36: {  	v2 =	vshll.u32 v2, $0x7;
	v3 =	vand.u32 $0xFFFFFF80, v1  }
0x37: {  	v1 =	vand.u32 $0x7F, v1;
	v2 =	vadd.s32 v2, v3  }
0x38: {  	v1 =	vor.u32 v1, v2;
	_ =	sdelay $0x4  }
0x39: {  	v1 =	vld.idx.msk [tilespmem:v1+s21+$0x0], $0xffff;
	_ =	sdelay $0x4  }
0x3a: {  	v1 =	vnsel vm0, $0xC2200000, v1  }
0x3b: {  	[tilespmem:s28+$0xFFFFFFF0] =	vst v1  }
0x3c: {  	v1 =	vld [tilespmem:s29+$0x0];
	_ =	sdelay $0x2  }
0x3d: {  	s1 =	sadd.s32 $0x20, s30  }
0x3e: {  	v2 =	vmov s1  }
0x3f: {  	v3 =	vor.u32 s1, v0;
	vm8 =	vlt.u32 v2, $0x190;
	vm7 =	vlt.s32 v1, $0x50  }
0x40: {  	vm9 =	vlt.s32 v3, $0x18F;
	vm0 =	vmand vm8, vm7  }
0x41: {  	v2 =	vnsel vm9, $0x18F, v3;
	v1 =	vnsel vm0, $0x0, v1  }
0x42: {  	v2 =	vshll.u32 v2, $0x7;
	v3 =	vand.u32 $0xFFFFFF80, v1  }
0x43: {  	v1 =	vand.u32 $0x7F, v1;
	v2 =	vadd.s32 v2, v3  }
0x44: {  	v1 =	vor.u32 v1, v2;
	_ =	sdelay $0x4  }
0x45: {  	v1 =	vld.idx.msk [tilespmem:v1+s21+$0x0], $0xffff;
	_ =	sdelay $0x4  }
0x46: {  	v1 =	vnsel vm0, $0xC2200000, v1  }
0x47: {  	[tilespmem:s28+$0x0] =	vst v1  }
0x48: {  	v1 =	vld [tilespmem:s29+$0x10];
	_ =	sdelay $0x2  }
0x49: {  	s0 =	sadd.s32 $0x30, s30  }
0x4a: {  	v2 =	vmov s0  }
0x4b: {  	v3 =	vor.u32 s0, v0;
	vm11 =	vlt.u32 v2, $0x190;
	vm10 =	vlt.s32 v1, $0x50  }
0x4c: {  	vm12 =	vlt.s32 v3, $0x18F;
	vm0 =	vmand vm11, vm10  }
0x4d: {  	v2 =	vnsel vm12, $0x18F, v3;
	v1 =	vnsel vm0, $0x0, v1  }
0x4e: {  	v2 =	vshll.u32 v2, $0x7;
	v3 =	vand.u32 $0xFFFFFF80, v1  }
0x4f: {  	v1 =	vand.u32 $0x7F, v1;
	v2 =	vadd.s32 v2, v3  }
0x50: {  	v1 =	vor.u32 v1, v2;
	_ =	sdelay $0x4  }
0x51: {  	v1 =	vld.idx.msk [tilespmem:v1+s21+$0x0], $0xffff;
	_ =	sdelay $0x4  }
0x52: {  	v1 =	vnsel vm0, $0xC2200000, v1  }
0x53: {  	[tilespmem:s28+$0x10] =	vst v1  }
0x54: {  	v1 =	vld [tilespmem:s29+$0x20];
	_ =	sdelay $0x2  }
0x55: {  	s1 =	sadd.s32 $0x40, s30  }
0x56: {  	v2 =	vmov s1  }
0x57: {  	v3 =	vor.u32 s1, v0;
	vm14 =	vlt.u32 v2, $0x190;
	vm13 =	vlt.s32 v1, $0x50  }
0x58: {  	vm15 =	vlt.s32 v3, $0x18F;
	vm0 =	vmand vm14, vm13  }
0x59: {  	v2 =	vnsel vm15, $0x18F, v3;
	v1 =	vnsel vm0, $0x0, v1  }
0x5a: {  	v2 =	vshll.u32 v2, $0x7;
	v3 =	vand.u32 $0xFFFFFF80, v1  }
0x5b: {  	v1 =	vand.u32 $0x7F, v1;
	v2 =	vadd.s32 v2, v3  }
0x5c: {  	v1 =	vor.u32 v1, v2;
	_ =	sdelay $0x4  }
0x5d: {  	s26 =	sadd.s32 $0x5, s26;
	v1 =	vld.idx.msk [tilespmem:v1+s21+$0x0], $0xffff  }
0x5e: {  	p0 =	slt.u32 s26, $0x14  }
.Ltmp0:
0x5f: {  	_ = 	snop;
	(pc) =	sbr.rel @p0 .LBB2_2-.Ltmp0, $3  }
0x60: {  	_ =	sdelay $0x1  }
0x61: {  	v1 =	vnsel vm0, $0xC2200000, v1  }
0x62: {  	s30 =	sadd.s32 $0x50, s30;
	s29 =	sadd.s32 $0x50, s29;
	[tilespmem:s28+$0x20] =	vst v1;
	s28 =	sadd.s32 $0x50, s28  }
0x63: {  	s26 =	simm.s32 $0x0  }
0x64: {  	[tilespmem:s21], [sflag:$0x1] =	stream.linear.gather [hbm4b:s5+s26], $0xC800, $0x38;
	[tilespmem:$0xE100] =	vst v63  }
0x65: {  	_ =	swait.ge [sflag:s20], $0xC800  }
0x66: {  	s28 =	simm.s32 $0xFFFFFFFB;
	[sflag:s20] =	ssyncset.done $0x0  }
0x67: {  	s29 =	simm.s32 $0x1D0;
	s30 =	simm.s32 $0xD650;
	[sflag:s20] =	ssyncadd.s32 $0xFFFF3800  }
.LBB2_4:
0x68: {  	v1 =	vld [tilespmem:s29+$0xFFFFFFC0];
	_ =	sdelay $0x3  }
0x69: {  	v2 =	vmov s26  }
0x6a: {  	v3 =	vor.u32 s26, v0;
	vm1 =	vlt.u32 v2, $0x190;
	vm0 =	vlt.s32 v1, $0x50  }
0x6b: {  	vm15 =	vlt.s32 v3, $0x18F;
	vm0 =	vmand vm1, vm0  }
0x6c: {  	v2 =	vnsel vm15, $0x18F, v3;
	v1 =	vnsel vm0, $0x0, v1  }
0x6d: {  	v2 =	vshll.u32 v2, $0x7;
	v3 =	vand.u32 $0xFFFFFF80, v1  }
0x6e: {  	v1 =	vand.u32 $0x7F, v1;
	v2 =	vadd.s32 v2, v3  }
0x6f: {  	v1 =	vor.u32 v1, v2;
	_ =	sdelay $0x4  }
0x70: {  	v1 =	vld.idx.msk [tilespmem:v1+s21+$0x0], $0xffff;
	_ =	sdelay $0x4  }
0x71: {  	v1 =	vnsel vm0, $0xC2200000, v1  }
0x72: {  	[tilespmem:s30+$0xFFFFFFC0] =	vst v1  }
0x73: {  	v1 =	vld [tilespmem:s29+$0xFFFFFFD0];
	_ =	sdelay $0x2  }
0x74: {  	s31 =	sadd.s32 $0x10, s26  }
0x75: {  	v2 =	vmov s31  }
0x76: {  	v3 =	vor.u32 s31, v0;
	vm5 =	vlt.u32 v2, $0x190;
	vm4 =	vlt.s32 v1, $0x50  }
0x77: {  	vm6 =	vlt.s32 v3, $0x18F;
	vm0 =	vmand vm5, vm4  }
0x78: {  	v2 =	vnsel vm6, $0x18F, v3;
	v1 =	vnsel vm0, $0x0, v1  }
0x79: {  	v2 =	vshll.u32 v2, $0x7;
	v3 =	vand.u32 $0xFFFFFF80, v1  }
0x7a: {  	v1 =	vand.u32 $0x7F, v1;
	v2 =	vadd.s32 v2, v3  }
0x7b: {  	v1 =	vor.u32 v1, v2;
	_ =	sdelay $0x4  }
0x7c: {  	v1 =	vld.idx.msk [tilespmem:v1+s21+$0x0], $0xffff;
	_ =	sdelay $0x4  }
0x7d: {  	v1 =	vnsel vm0, $0xC2200000, v1  }
0x7e: {  	[tilespmem:s30+$0xFFFFFFD0] =	vst v1  }
0x7f: {  	v1 =	vld [tilespmem:s29+$0xFFFFFFE0];
	_ =	sdelay $0x2  }
0x80: {  	s1 =	sadd.s32 $0x20, s26  }
0x81: {  	v2 =	vmov s1  }
0x82: {  	v3 =	vor.u32 s1, v0;
	vm8 =	vlt.u32 v2, $0x190;
	vm7 =	vlt.s32 v1, $0x50  }
0x83: {  	vm9 =	vlt.s32 v3, $0x18F;
	vm0 =	vmand vm8, vm7  }
0x84: {  	v2 =	vnsel vm9, $0x18F, v3;
	v1 =	vnsel vm0, $0x0, v1  }
0x85: {  	v2 =	vshll.u32 v2, $0x7;
	v3 =	vand.u32 $0xFFFFFF80, v1  }
0x86: {  	v1 =	vand.u32 $0x7F, v1;
	v2 =	vadd.s32 v2, v3  }
0x87: {  	v1 =	vor.u32 v1, v2;
	_ =	sdelay $0x4  }
0x88: {  	v1 =	vld.idx.msk [tilespmem:v1+s21+$0x0], $0xffff;
	_ =	sdelay $0x4  }
0x89: {  	v1 =	vnsel vm0, $0xC2200000, v1  }
0x8a: {  	[tilespmem:s30+$0xFFFFFFE0] =	vst v1  }
0x8b: {  	v1 =	vld [tilespmem:s29+$0xFFFFFFF0];
	_ =	sdelay $0x2  }
0x8c: {  	s0 =	sadd.s32 $0x30, s26  }
0x8d: {  	v2 =	vmov s0  }
0x8e: {  	v3 =	vor.u32 s0, v0;
	vm11 =	vlt.u32 v2, $0x190;
	vm10 =	vlt.s32 v1, $0x50  }
0x8f: {  	vm12 =	vlt.s32 v3, $0x18F;
	vm0 =	vmand vm11, vm10  }
0x90: {  	v2 =	vnsel vm12, $0x18F, v3;
	v1 =	vnsel vm0, $0x0, v1  }
0x91: {  	v2 =	vshll.u32 v2, $0x7;
	v3 =	vand.u32 $0xFFFFFF80, v1  }
0x92: {  	v1 =	vand.u32 $0x7F, v1;
	v2 =	vadd.s32 v2, v3  }
0x93: {  	v1 =	vor.u32 v1, v2;
	_ =	sdelay $0x4  }
0x94: {  	v1 =	vld.idx.msk [tilespmem:v1+s21+$0x0], $0xffff;
	_ =	sdelay $0x4  }
0x95: {  	v1 =	vnsel vm0, $0xC2200000, v1  }
0x96: {  	[tilespmem:s30+$0xFFFFFFF0] =	vst v1  }
0x97: {  	v1 =	vld [tilespmem:s29+$0x0];
	_ =	sdelay $0x2  }
0x98: {  	s1 =	sadd.s32 $0x40, s26  }
0x99: {  	v2 =	vmov s1  }
0x9a: {  	v3 =	vor.u32 s1, v0;
	vm14 =	vlt.u32 v2, $0x190;
	vm13 =	vlt.s32 v1, $0x50  }
0x9b: {  	vm15 =	vlt.s32 v3, $0x18F;
	vm0 =	vmand vm14, vm13  }
0x9c: {  	v2 =	vnsel vm15, $0x18F, v3;
	v1 =	vnsel vm0, $0x0, v1  }
0x9d: {  	v2 =	vshll.u32 v2, $0x7;
	v3 =	vand.u32 $0xFFFFFF80, v1  }
0x9e: {  	v1 =	vand.u32 $0x7F, v1;
	v2 =	vadd.s32 v2, v3  }
0x9f: {  	v1 =	vor.u32 v1, v2;
	_ =	sdelay $0x4  }
0xa0: {  	s28 =	sadd.s32 $0x5, s28;
	v1 =	vld.idx.msk [tilespmem:v1+s21+$0x0], $0xffff  }
0xa1: {  	p0 =	slt.u32 s28, $0x14  }
.Ltmp1:
0xa2: {  	_ = 	snop;
	(pc) =	sbr.rel @p0 .LBB2_4-.Ltmp1, $3  }
0xa3: {  	_ =	sdelay $0x1  }
0xa4: {  	v1 =	vnsel vm0, $0xC2200000, v1  }
0xa5: {  	s26 =	sadd.s32 $0x50, s26;
	s29 =	sadd.s32 $0x50, s29;
	[tilespmem:s30+$0x0] =	vst v1;
	s30 =	sadd.s32 $0x50, s30  }
0xa6: {  	[tilespmem:s21], [sflag:$0x1] =	stream.linear.gather [hbm4b:s6+s2], $0xC800, $0x38;
	[tilespmem:$0xE100] =	vst v63  }
0xa7: {  	_ =	swait.ge [sflag:s20], $0xC800  }
0xa8: {  	s26 =	simm.s32 $0xFFFFFFFB;
	s28 =	simm.s32 $0xD7E0;
	[sflag:s20] =	ssyncset.done $0x0  }
0xa9: {  	s29 =	simm.s32 $0x360;
	s30 =	smov.u32 s14;
	[sflag:s20] =	ssyncadd.s32 $0xFFFF3800  }
.LBB2_6:
0xaa: {  	v1 =	vld [tilespmem:s29+$0xFFFFFFC0];
	_ =	sdelay $0x2  }
0xab: {  	s31 =	sadd.s32 $0xFFFFFFC0, s30  }
0xac: {  	v2 =	vmov s31  }
0xad: {  	v3 =	vor.u32 s31, v0;
	vm1 =	vlt.u32 v2, $0x190;
	vm0 =	vlt.s32 v1, $0x50  }
0xae: {  	vm15 =	vlt.s32 v3, $0x18F;
	vm0 =	vmand vm1, vm0  }
0xaf: {  	v2 =	vnsel vm15, $0x18F, v3;
	v1 =	vnsel vm0, $0x0, v1  }
0xb0: {  	v2 =	vshll.u32 v2, $0x7;
	v3 =	vand.u32 $0xFFFFFF80, v1  }
0xb1: {  	v1 =	vand.u32 $0x7F, v1;
	v2 =	vadd.s32 v2, v3  }
0xb2: {  	v1 =	vor.u32 v1, v2;
	_ =	sdelay $0x4  }
0xb3: {  	v1 =	vld.idx.msk [tilespmem:v1+s21+$0x0], $0xffff;
	_ =	sdelay $0x4  }
0xb4: {  	v1 =	vnsel vm0, $0xC2200000, v1  }
0xb5: {  	[tilespmem:s28+$0xFFFFFFC0] =	vst v1  }
0xb6: {  	v1 =	vld [tilespmem:s29+$0xFFFFFFD0];
	_ =	sdelay $0x2  }
0xb7: {  	s1 =	sadd.s32 $0xFFFFFFD0, s30  }
0xb8: {  	v2 =	vmov s1  }
0xb9: {  	v3 =	vor.u32 s1, v0;
	vm5 =	vlt.u32 v2, $0x190;
	vm4 =	vlt.s32 v1, $0x50  }
0xba: {  	vm6 =	vlt.s32 v3, $0x18F;
	vm0 =	vmand vm5, vm4  }
0xbb: {  	v2 =	vnsel vm6, $0x18F, v3;
	v1 =	vnsel vm0, $0x0, v1  }
0xbc: {  	v2 =	vshll.u32 v2, $0x7;
	v3 =	vand.u32 $0xFFFFFF80, v1  }
0xbd: {  	v1 =	vand.u32 $0x7F, v1;
	v2 =	vadd.s32 v2, v3  }
0xbe: {  	v1 =	vor.u32 v1, v2;
	_ =	sdelay $0x4  }
0xbf: {  	v1 =	vld.idx.msk [tilespmem:v1+s21+$0x0], $0xffff;
	_ =	sdelay $0x4  }
0xc0: {  	v1 =	vnsel vm0, $0xC2200000, v1  }
0xc1: {  	[tilespmem:s28+$0xFFFFFFD0] =	vst v1  }
0xc2: {  	v1 =	vld [tilespmem:s29+$0xFFFFFFE0];
	_ =	sdelay $0x2  }
0xc3: {  	s0 =	sadd.s32 $0xFFFFFFE0, s30  }
0xc4: {  	v2 =	vmov s0  }
0xc5: {  	v3 =	vor.u32 s0, v0;
	vm8 =	vlt.u32 v2, $0x190;
	vm7 =	vlt.s32 v1, $0x50  }
0xc6: {  	vm9 =	vlt.s32 v3, $0x18F;
	vm0 =	vmand vm8, vm7  }
0xc7: {  	v2 =	vnsel vm9, $0x18F, v3;
	v1 =	vnsel vm0, $0x0, v1  }
0xc8: {  	v2 =	vshll.u32 v2, $0x7;
	v3 =	vand.u32 $0xFFFFFF80, v1  }
0xc9: {  	v1 =	vand.u32 $0x7F, v1;
	v2 =	vadd.s32 v2, v3  }
0xca: {  	v1 =	vor.u32 v1, v2;
	_ =	sdelay $0x4  }
0xcb: {  	v1 =	vld.idx.msk [tilespmem:v1+s21+$0x0], $0xffff;
	_ =	sdelay $0x4  }
0xcc: {  	v1 =	vnsel vm0, $0xC2200000, v1  }
0xcd: {  	[tilespmem:s28+$0xFFFFFFE0] =	vst v1  }
0xce: {  	v1 =	vld [tilespmem:s29+$0xFFFFFFF0];
	_ =	sdelay $0x2  }
0xcf: {  	s1 =	sadd.s32 $0xFFFFFFF0, s30  }
0xd0: {  	v2 =	vmov s1  }
0xd1: {  	v3 =	vor.u32 s1, v0;
	vm11 =	vlt.u32 v2, $0x190;
	vm10 =	vlt.s32 v1, $0x50  }
0xd2: {  	vm12 =	vlt.s32 v3, $0x18F;
	vm0 =	vmand vm11, vm10  }
0xd3: {  	v2 =	vnsel vm12, $0x18F, v3;
	v1 =	vnsel vm0, $0x0, v1  }
0xd4: {  	v2 =	vshll.u32 v2, $0x7;
	v3 =	vand.u32 $0xFFFFFF80, v1  }
0xd5: {  	v1 =	vand.u32 $0x7F, v1;
	v2 =	vadd.s32 v2, v3  }
0xd6: {  	v1 =	vor.u32 v1, v2;
	_ =	sdelay $0x4  }
0xd7: {  	v1 =	vld.idx.msk [tilespmem:v1+s21+$0x0], $0xffff;
	_ =	sdelay $0x4  }
0xd8: {  	v1 =	vnsel vm0, $0xC2200000, v1  }
0xd9: {  	[tilespmem:s28+$0xFFFFFFF0] =	vst v1  }
0xda: {  	v1 =	vld [tilespmem:s29+$0x0];
	_ =	sdelay $0x3  }
0xdb: {  	v2 =	vmov s30  }
0xdc: {  	v3 =	vor.u32 s30, v0;
	vm14 =	vlt.u32 v2, $0x190;
	vm13 =	vlt.s32 v1, $0x50  }
0xdd: {  	vm15 =	vlt.s32 v3, $0x18F;
	vm0 =	vmand vm14, vm13  }
0xde: {  	v2 =	vnsel vm15, $0x18F, v3;
	v1 =	vnsel vm0, $0x0, v1  }
0xdf: {  	v2 =	vshll.u32 v2, $0x7;
	v3 =	vand.u32 $0xFFFFFF80, v1  }
0xe0: {  	v1 =	vand.u32 $0x7F, v1;
	v2 =	vadd.s32 v2, v3  }
0xe1: {  	v1 =	vor.u32 v1, v2;
	_ =	sdelay $0x4  }
0xe2: {  	s26 =	sadd.s32 $0x5, s26;
	v1 =	vld.idx.msk [tilespmem:v1+s21+$0x0], $0xffff  }
0xe3: {  	p0 =	slt.u32 s26, $0x14  }
.Ltmp2:
0xe4: {  	_ = 	snop;
	(pc) =	sbr.rel @p0 .LBB2_6-.Ltmp2, $3  }
0xe5: {  	_ =	sdelay $0x1  }
0xe6: {  	v1 =	vnsel vm0, $0xC2200000, v1  }
0xe7: {  	s30 =	sadd.s32 $0x50, s30;
	s29 =	sadd.s32 $0x50, s29;
	[tilespmem:s28+$0x0] =	vst v1;
	s28 =	sadd.s32 $0x50, s28  }
0xe8: {  	[tilespmem:s21], [sflag:$0x1] =	stream.linear.gather [hbm4b:s7+s2], $0xC800, $0x38;
	[tilespmem:$0xE100] =	vst v63  }
0xe9: {  	_ =	swait.ge [sflag:s20], $0xC800  }
0xea: {  	s26 =	simm.s32 $0xFFFFFFFB;
	s28 =	simm.s32 $0xD970;
	[sflag:s20] =	ssyncset.done $0x0  }
0xeb: {  	s29 =	simm.s32 $0x4F0;
	s30 =	smov.u32 s15;
	[sflag:s20] =	ssyncadd.s32 $0xFFFF3800  }
.LBB2_8:
0xec: {  	v1 =	vld [tilespmem:s29+$0xFFFFFFC0];
	_ =	sdelay $0x2  }
0xed: {  	s31 =	sadd.s32 $0xFFFFFFC0, s30  }
0xee: {  	v2 =	vmov s31  }
0xef: {  	v3 =	vor.u32 s31, v0;
	vm1 =	vlt.u32 v2, $0x190;
	vm0 =	vlt.s32 v1, $0x50  }
0xf0: {  	vm15 =	vlt.s32 v3, $0x18F;
	vm0 =	vmand vm1, vm0  }
0xf1: {  	v2 =	vnsel vm15, $0x18F, v3;
	v1 =	vnsel vm0, $0x0, v1  }
0xf2: {  	v2 =	vshll.u32 v2, $0x7;
	v3 =	vand.u32 $0xFFFFFF80, v1  }
0xf3: {  	v1 =	vand.u32 $0x7F, v1;
	v2 =	vadd.s32 v2, v3  }
0xf4: {  	v1 =	vor.u32 v1, v2;
	_ =	sdelay $0x4  }
0xf5: {  	v1 =	vld.idx.msk [tilespmem:v1+s21+$0x0], $0xffff;
	_ =	sdelay $0x4  }
0xf6: {  	v1 =	vnsel vm0, $0xC2200000, v1  }
0xf7: {  	[tilespmem:s28+$0xFFFFFFC0] =	vst v1  }
0xf8: {  	v1 =	vld [tilespmem:s29+$0xFFFFFFD0];
	_ =	sdelay $0x2  }
0xf9: {  	s1 =	sadd.s32 $0xFFFFFFD0, s30  }
0xfa: {  	v2 =	vmov s1  }
0xfb: {  	v3 =	vor.u32 s1, v0;
	vm5 =	vlt.u32 v2, $0x190;
	vm4 =	vlt.s32 v1, $0x50  }
0xfc: {  	vm6 =	vlt.s32 v3, $0x18F;
	vm0 =	vmand vm5, vm4  }
0xfd: {  	v2 =	vnsel vm6, $0x18F, v3;
	v1 =	vnsel vm0, $0x0, v1  }
0xfe: {  	v2 =	vshll.u32 v2, $0x7;
	v3 =	vand.u32 $0xFFFFFF80, v1  }
0xff: {  	v1 =	vand.u32 $0x7F, v1;
	v2 =	vadd.s32 v2, v3  }
0x100: {  	v1 =	vor.u32 v1, v2;
	_ =	sdelay $0x4  }
0x101: {  	v1 =	vld.idx.msk [tilespmem:v1+s21+$0x0], $0xffff;
	_ =	sdelay $0x4  }
0x102: {  	v1 =	vnsel vm0, $0xC2200000, v1  }
0x103: {  	[tilespmem:s28+$0xFFFFFFD0] =	vst v1  }
0x104: {  	v1 =	vld [tilespmem:s29+$0xFFFFFFE0];
	_ =	sdelay $0x2  }
0x105: {  	s0 =	sadd.s32 $0xFFFFFFE0, s30  }
0x106: {  	v2 =	vmov s0  }
0x107: {  	v3 =	vor.u32 s0, v0;
	vm8 =	vlt.u32 v2, $0x190;
	vm7 =	vlt.s32 v1, $0x50  }
0x108: {  	vm9 =	vlt.s32 v3, $0x18F;
	vm0 =	vmand vm8, vm7  }
0x109: {  	v2 =	vnsel vm9, $0x18F, v3;
	v1 =	vnsel vm0, $0x0, v1  }
0x10a: {  	v2 =	vshll.u32 v2, $0x7;
	v3 =	vand.u32 $0xFFFFFF80, v1  }
0x10b: {  	v1 =	vand.u32 $0x7F, v1;
	v2 =	vadd.s32 v2, v3  }
0x10c: {  	v1 =	vor.u32 v1, v2;
	_ =	sdelay $0x4  }
0x10d: {  	v1 =	vld.idx.msk [tilespmem:v1+s21+$0x0], $0xffff;
	_ =	sdelay $0x4  }
0x10e: {  	v1 =	vnsel vm0, $0xC2200000, v1  }
0x10f: {  	[tilespmem:s28+$0xFFFFFFE0] =	vst v1  }
0x110: {  	v1 =	vld [tilespmem:s29+$0xFFFFFFF0];
	_ =	sdelay $0x2  }
0x111: {  	s1 =	sadd.s32 $0xFFFFFFF0, s30  }
0x112: {  	v2 =	vmov s1  }
0x113: {  	v3 =	vor.u32 s1, v0;
	vm11 =	vlt.u32 v2, $0x190;
	vm10 =	vlt.s32 v1, $0x50  }
0x114: {  	vm12 =	vlt.s32 v3, $0x18F;
	vm0 =	vmand vm11, vm10  }
0x115: {  	v2 =	vnsel vm12, $0x18F, v3;
	v1 =	vnsel vm0, $0x0, v1  }
0x116: {  	v2 =	vshll.u32 v2, $0x7;
	v3 =	vand.u32 $0xFFFFFF80, v1  }
0x117: {  	v1 =	vand.u32 $0x7F, v1;
	v2 =	vadd.s32 v2, v3  }
0x118: {  	v1 =	vor.u32 v1, v2;
	_ =	sdelay $0x4  }
0x119: {  	v1 =	vld.idx.msk [tilespmem:v1+s21+$0x0], $0xffff;
	_ =	sdelay $0x4  }
0x11a: {  	v1 =	vnsel vm0, $0xC2200000, v1  }
0x11b: {  	[tilespmem:s28+$0xFFFFFFF0] =	vst v1  }
0x11c: {  	v1 =	vld [tilespmem:s29+$0x0];
	_ =	sdelay $0x3  }
0x11d: {  	v2 =	vmov s30  }
0x11e: {  	v3 =	vor.u32 s30, v0;
	vm14 =	vlt.u32 v2, $0x190;
	vm13 =	vlt.s32 v1, $0x50  }
0x11f: {  	vm15 =	vlt.s32 v3, $0x18F;
	vm0 =	vmand vm14, vm13  }
0x120: {  	v2 =	vnsel vm15, $0x18F, v3;
	v1 =	vnsel vm0, $0x0, v1  }
0x121: {  	v2 =	vshll.u32 v2, $0x7;
	v3 =	vand.u32 $0xFFFFFF80, v1  }
0x122: {  	v1 =	vand.u32 $0x7F, v1;
	v2 =	vadd.s32 v2, v3  }
0x123: {  	v1 =	vor.u32 v1, v2;
	_ =	sdelay $0x4  }
0x124: {  	s26 =	sadd.s32 $0x5, s26;
	v1 =	vld.idx.msk [tilespmem:v1+s21+$0x0], $0xffff  }
0x125: {  	p0 =	slt.u32 s26, $0x14  }
.Ltmp3:
0x126: {  	_ = 	snop;
	(pc) =	sbr.rel @p0 .LBB2_8-.Ltmp3, $3  }
0x127: {  	_ =	sdelay $0x1  }
0x128: {  	v1 =	vnsel vm0, $0xC2200000, v1  }
0x129: {  	s30 =	sadd.s32 $0x50, s30;
	s29 =	sadd.s32 $0x50, s29;
	[tilespmem:s28+$0x0] =	vst v1;
	s28 =	sadd.s32 $0x50, s28  }
0x12a: {  	s26 =	simm.s32 $0x0  }
0x12b: {  	[tilespmem:s21], [sflag:$0x1] =	stream.linear.gather [hbm4b:s8+s26], $0xC800, $0x38;
	[tilespmem:$0xE100] =	vst v63  }
0x12c: {  	_ =	swait.ge [sflag:s20], $0xC800  }
0x12d: {  	s28 =	simm.s32 $0xFFFFFFFB;
	[sflag:s20] =	ssyncset.done $0x0  }
0x12e: {  	s29 =	simm.s32 $0xDAF0;
	s30 =	simm.s32 $0x670;
	[sflag:s20] =	ssyncadd.s32 $0xFFFF3800  }
.LBB2_10:
0x12f: {  	v1 =	vld [tilespmem:s30+$0xFFFFFFD0];
	_ =	sdelay $0x1  }
0x130: {  	s31 =	sadd.s32 s26, s16  }
0x131: {  	s1 =	sadd.s32 $0x640, s31  }
0x132: {  	v2 =	vmov s1  }
0x133: {  	v3 =	vor.u32 s1, v0;
	vm1 =	vlt.u32 v2, $0x190;
	vm0 =	vlt.s32 v1, $0x50  }
0x134: {  	vm15 =	vlt.s32 v3, $0x18F;
	vm0 =	vmand vm1, vm0  }
0x135: {  	v2 =	vnsel vm15, $0x18F, v3;
	v1 =	vnsel vm0, $0x0, v1  }
0x136: {  	v2 =	vshll.u32 v2, $0x7;
	v3 =	vand.u32 $0xFFFFFF80, v1  }
0x137: {  	v1 =	vand.u32 $0x7F, v1;
	v2 =	vadd.s32 v2, v3  }
0x138: {  	v1 =	vor.u32 v1, v2;
	_ =	sdelay $0x4  }
0x139: {  	v1 =	vld.idx.msk [tilespmem:v1+s21+$0x0], $0xffff;
	_ =	sdelay $0x4  }
0x13a: {  	v1 =	vnsel vm0, $0xC2200000, v1  }
0x13b: {  	[tilespmem:s29+$0xFFFFFFD0] =	vst v1  }
0x13c: {  	v1 =	vld [tilespmem:s30+$0xFFFFFFE0];
	_ =	sdelay $0x2  }
0x13d: {  	s0 =	sadd.s32 $0x650, s31  }
0x13e: {  	v2 =	vmov s0  }
0x13f: {  	v3 =	vor.u32 s0, v0;
	vm5 =	vlt.u32 v2, $0x190;
	vm4 =	vlt.s32 v1, $0x50  }
0x140: {  	vm6 =	vlt.s32 v3, $0x18F;
	vm0 =	vmand vm5, vm4  }
0x141: {  	v2 =	vnsel vm6, $0x18F, v3;
	v1 =	vnsel vm0, $0x0, v1  }
0x142: {  	v2 =	vshll.u32 v2, $0x7;
	v3 =	vand.u32 $0xFFFFFF80, v1  }
0x143: {  	v1 =	vand.u32 $0x7F, v1;
	v2 =	vadd.s32 v2, v3  }
0x144: {  	v1 =	vor.u32 v1, v2;
	_ =	sdelay $0x4  }
0x145: {  	v1 =	vld.idx.msk [tilespmem:v1+s21+$0x0], $0xffff;
	_ =	sdelay $0x4  }
0x146: {  	v1 =	vnsel vm0, $0xC2200000, v1  }
0x147: {  	[tilespmem:s29+$0xFFFFFFE0] =	vst v1  }
0x148: {  	v1 =	vld [tilespmem:s30+$0xFFFFFFF0];
	_ =	sdelay $0x2  }
0x149: {  	s0 =	sadd.s32 $0x660, s31  }
0x14a: {  	v2 =	vmov s0  }
0x14b: {  	v3 =	vor.u32 s0, v0;
	vm8 =	vlt.u32 v2, $0x190;
	vm7 =	vlt.s32 v1, $0x50  }
0x14c: {  	vm9 =	vlt.s32 v3, $0x18F;
	vm0 =	vmand vm8, vm7  }
0x14d: {  	v2 =	vnsel vm9, $0x18F, v3;
	v1 =	vnsel vm0, $0x0, v1  }
0x14e: {  	v2 =	vshll.u32 v2, $0x7;
	v3 =	vand.u32 $0xFFFFFF80, v1  }
0x14f: {  	v1 =	vand.u32 $0x7F, v1;
	v2 =	vadd.s32 v2, v3  }
0x150: {  	v1 =	vor.u32 v1, v2;
	_ =	sdelay $0x4  }
0x151: {  	v1 =	vld.idx.msk [tilespmem:v1+s21+$0x0], $0xffff;
	_ =	sdelay $0x4  }
0x152: {  	v1 =	vnsel vm0, $0xC2200000, v1  }
0x153: {  	[tilespmem:s29+$0xFFFFFFF0] =	vst v1  }
0x154: {  	v1 =	vld [tilespmem:s30+$0x0];
	_ =	sdelay $0x2  }
0x155: {  	s0 =	sadd.s32 $0x670, s31  }
0x156: {  	v2 =	vmov s0  }
0x157: {  	v3 =	vor.u32 s0, v0;
	vm11 =	vlt.u32 v2, $0x190;
	vm10 =	vlt.s32 v1, $0x50  }
0x158: {  	vm12 =	vlt.s32 v3, $0x18F;
	vm0 =	vmand vm11, vm10  }
0x159: {  	v2 =	vnsel vm12, $0x18F, v3;
	v1 =	vnsel vm0, $0x0, v1  }
0x15a: {  	v2 =	vshll.u32 v2, $0x7;
	v3 =	vand.u32 $0xFFFFFF80, v1  }
0x15b: {  	v1 =	vand.u32 $0x7F, v1;
	v2 =	vadd.s32 v2, v3  }
0x15c: {  	v1 =	vor.u32 v1, v2;
	_ =	sdelay $0x4  }
0x15d: {  	v1 =	vld.idx.msk [tilespmem:v1+s21+$0x0], $0xffff;
	_ =	sdelay $0x4  }
0x15e: {  	v1 =	vnsel vm0, $0xC2200000, v1  }
0x15f: {  	s0 =	sand.u32 $0x1F0, s26;
	[tilespmem:s29+$0x0] =	vst v1  }
0x160: {  	v1 =	vld [tilespmem:s0+$0x680];
	_ =	sdelay $0x2  }
0x161: {  	s31 =	sadd.s32 $0x680, s31  }
0x162: {  	v2 =	vmov s31  }
0x163: {  	v3 =	vor.u32 s31, v0;
	vm14 =	vlt.u32 v2, $0x190;
	vm13 =	vlt.s32 v1, $0x50  }
0x164: {  	vm15 =	vlt.s32 v3, $0x18F;
	vm0 =	vmand vm14, vm13  }
0x165: {  	v2 =	vnsel vm15, $0x18F, v3;
	v1 =	vnsel vm0, $0x0, v1  }
0x166: {  	v2 =	vshll.u32 v2, $0x7;
	v3 =	vand.u32 $0xFFFFFF80, v1  }
0x167: {  	v1 =	vand.u32 $0x7F, v1;
	v2 =	vadd.s32 v2, v3  }
0x168: {  	v1 =	vor.u32 v1, v2;
	_ =	sdelay $0x4  }
0x169: {  	s28 =	sadd.s32 $0x5, s28;
	v1 =	vld.idx.msk [tilespmem:v1+s21+$0x0], $0xffff  }
0x16a: {  	p0 =	slt.u32 s28, $0x14  }
.Ltmp4:
0x16b: {  	_ = 	snop;
	(pc) =	sbr.rel @p0 .LBB2_10-.Ltmp4, $3  }
0x16c: {  	_ =	sdelay $0x1  }
0x16d: {  	v1 =	vnsel vm0, $0xC2200000, v1  }
0x16e: {  	s26 =	sadd.s32 $0x50, s26;
	s30 =	sadd.s32 $0x50, s30;
	s29 =	sadd.s32 $0x50, s29;
	[tilespmem:s0+$0xDB00] =	vst v1  }
0x16f: {  	[tilespmem:s21], [sflag:$0x1] =	stream.linear.gather [hbm4b:s9+s2], $0xC800, $0x38;
	[tilespmem:$0xE100] =	vst v63  }
0x170: {  	_ =	swait.ge [sflag:s20], $0xC800  }
0x171: {  	s26 =	simm.s32 $0xFFFFFFFB;
	s28 =	simm.s32 $0xDC90;
	[sflag:s20] =	ssyncset.done $0x0  }
0x172: {  	s29 =	simm.s32 $0x810;
	s30 =	smov.u32 s17;
	[sflag:s20] =	ssyncadd.s32 $0xFFFF3800  }
.LBB2_12:
0x173: {  	v1 =	vld [tilespmem:s29+$0xFFFFFFC0];
	_ =	sdelay $0x2  }
0x174: {  	s1 =	sadd.s32 $0xFFFFFFC0, s30  }
0x175: {  	v2 =	vmov s1  }
0x176: {  	v3 =	vor.u32 s1, v0;
	vm1 =	vlt.u32 v2, $0x190;
	vm0 =	vlt.s32 v1, $0x50  }
0x177: {  	vm15 =	vlt.s32 v3, $0x18F;
	vm0 =	vmand vm1, vm0  }
0x178: {  	v2 =	vnsel vm15, $0x18F, v3;
	v1 =	vnsel vm0, $0x0, v1  }
0x179: {  	v2 =	vshll.u32 v2, $0x7;
	v3 =	vand.u32 $0xFFFFFF80, v1  }
0x17a: {  	v1 =	vand.u32 $0x7F, v1;
	v2 =	vadd.s32 v2, v3  }
0x17b: {  	v1 =	vor.u32 v1, v2;
	_ =	sdelay $0x4  }
0x17c: {  	v1 =	vld.idx.msk [tilespmem:v1+s21+$0x0], $0xffff;
	_ =	sdelay $0x4  }
0x17d: {  	v1 =	vnsel vm0, $0xC2200000, v1  }
0x17e: {  	[tilespmem:s28+$0xFFFFFFC0] =	vst v1  }
0x17f: {  	v1 =	vld [tilespmem:s29+$0xFFFFFFD0];
	_ =	sdelay $0x2  }
0x180: {  	s31 =	sadd.s32 $0xFFFFFFD0, s30  }
0x181: {  	v2 =	vmov s31  }
0x182: {  	v3 =	vor.u32 s31, v0;
	vm5 =	vlt.u32 v2, $0x190;
	vm4 =	vlt.s32 v1, $0x50  }
0x183: {  	vm6 =	vlt.s32 v3, $0x18F;
	vm0 =	vmand vm5, vm4  }
0x184: {  	v2 =	vnsel vm6, $0x18F, v3;
	v1 =	vnsel vm0, $0x0, v1  }
0x185: {  	v2 =	vshll.u32 v2, $0x7;
	v3 =	vand.u32 $0xFFFFFF80, v1  }
0x186: {  	v1 =	vand.u32 $0x7F, v1;
	v2 =	vadd.s32 v2, v3  }
0x187: {  	v1 =	vor.u32 v1, v2;
	_ =	sdelay $0x4  }
0x188: {  	v1 =	vld.idx.msk [tilespmem:v1+s21+$0x0], $0xffff;
	_ =	sdelay $0x4  }
0x189: {  	v1 =	vnsel vm0, $0xC2200000, v1  }
0x18a: {  	[tilespmem:s28+$0xFFFFFFD0] =	vst v1  }
0x18b: {  	v1 =	vld [tilespmem:s29+$0xFFFFFFE0];
	_ =	sdelay $0x2  }
0x18c: {  	s0 =	sadd.s32 $0xFFFFFFE0, s30  }
0x18d: {  	v2 =	vmov s0  }
0x18e: {  	v3 =	vor.u32 s0, v0;
	vm8 =	vlt.u32 v2, $0x190;
	vm7 =	vlt.s32 v1, $0x50  }
0x18f: {  	vm9 =	vlt.s32 v3, $0x18F;
	vm0 =	vmand vm8, vm7  }
0x190: {  	v2 =	vnsel vm9, $0x18F, v3;
	v1 =	vnsel vm0, $0x0, v1  }
0x191: {  	v2 =	vshll.u32 v2, $0x7;
	v3 =	vand.u32 $0xFFFFFF80, v1  }
0x192: {  	v1 =	vand.u32 $0x7F, v1;
	v2 =	vadd.s32 v2, v3  }
0x193: {  	v1 =	vor.u32 v1, v2;
	_ =	sdelay $0x4  }
0x194: {  	v1 =	vld.idx.msk [tilespmem:v1+s21+$0x0], $0xffff;
	_ =	sdelay $0x4  }
0x195: {  	v1 =	vnsel vm0, $0xC2200000, v1  }
0x196: {  	[tilespmem:s28+$0xFFFFFFE0] =	vst v1  }
0x197: {  	v1 =	vld [tilespmem:s29+$0xFFFFFFF0];
	_ =	sdelay $0x2  }
0x198: {  	s31 =	sadd.s32 $0xFFFFFFF0, s30  }
0x199: {  	v2 =	vmov s31  }
0x19a: {  	v3 =	vor.u32 s31, v0;
	vm11 =	vlt.u32 v2, $0x190;
	vm10 =	vlt.s32 v1, $0x50  }
0x19b: {  	vm12 =	vlt.s32 v3, $0x18F;
	vm0 =	vmand vm11, vm10  }
0x19c: {  	v2 =	vnsel vm12, $0x18F, v3;
	v1 =	vnsel vm0, $0x0, v1  }
0x19d: {  	v2 =	vshll.u32 v2, $0x7;
	v3 =	vand.u32 $0xFFFFFF80, v1  }
0x19e: {  	v1 =	vand.u32 $0x7F, v1;
	v2 =	vadd.s32 v2, v3  }
0x19f: {  	v1 =	vor.u32 v1, v2;
	_ =	sdelay $0x4  }
0x1a0: {  	v1 =	vld.idx.msk [tilespmem:v1+s21+$0x0], $0xffff;
	_ =	sdelay $0x4  }
0x1a1: {  	v1 =	vnsel vm0, $0xC2200000, v1  }
0x1a2: {  	[tilespmem:s28+$0xFFFFFFF0] =	vst v1  }
0x1a3: {  	v1 =	vld [tilespmem:s29+$0x0];
	_ =	sdelay $0x3  }
0x1a4: {  	v2 =	vmov s30  }
0x1a5: {  	v3 =	vor.u32 s30, v0;
	vm14 =	vlt.u32 v2, $0x190;
	vm13 =	vlt.s32 v1, $0x50  }
0x1a6: {  	vm15 =	vlt.s32 v3, $0x18F;
	vm0 =	vmand vm14, vm13  }
0x1a7: {  	v2 =	vnsel vm15, $0x18F, v3;
	v1 =	vnsel vm0, $0x0, v1  }
0x1a8: {  	v2 =	vshll.u32 v2, $0x7;
	v3 =	vand.u32 $0xFFFFFF80, v1  }
0x1a9: {  	v1 =	vand.u32 $0x7F, v1;
	v2 =	vadd.s32 v2, v3  }
0x1aa: {  	v1 =	vor.u32 v1, v2;
	_ =	sdelay $0x4  }
0x1ab: {  	s26 =	sadd.s32 $0x5, s26;
	v1 =	vld.idx.msk [tilespmem:v1+s21+$0x0], $0xffff  }
0x1ac: {  	p0 =	slt.u32 s26, $0x14  }
.Ltmp5:
0x1ad: {  	_ = 	snop;
	(pc) =	sbr.rel @p0 .LBB2_12-.Ltmp5, $3  }
0x1ae: {  	_ =	sdelay $0x1  }
0x1af: {  	v1 =	vnsel vm0, $0xC2200000, v1  }
0x1b0: {  	s30 =	sadd.s32 $0x50, s30;
	s29 =	sadd.s32 $0x50, s29;
	[tilespmem:s28+$0x0] =	vst v1;
	s28 =	sadd.s32 $0x50, s28  }
0x1b1: {  	s26 =	simm.s32 $0x0  }
0x1b2: {  	[tilespmem:s21], [sflag:$0x1] =	stream.linear.gather [hbm4b:s10+s26], $0xC800, $0x38;
	[tilespmem:$0xE100] =	vst v63  }
0x1b3: {  	_ =	swait.ge [sflag:s20], $0xC800  }
0x1b4: {  	s28 =	simm.s32 $0xFFFFFFFB;
	[sflag:s20] =	ssyncset.done $0x0  }
0x1b5: {  	s29 =	simm.s32 $0xDE20;
	s30 =	simm.s32 $0x9A0;
	[sflag:s20] =	ssyncadd.s32 $0xFFFF3800  }
.LBB2_14:
0x1b6: {  	v1 =	vld [tilespmem:s30+$0xFFFFFFC0];
	_ =	sdelay $0x1  }
0x1b7: {  	s31 =	sadd.s32 s26, s18  }
0x1b8: {  	s1 =	sadd.s32 $0x960, s31  }
0x1b9: {  	v2 =	vmov s1  }
0x1ba: {  	v3 =	vor.u32 s1, v0;
	vm1 =	vlt.u32 v2, $0x190;
	vm0 =	vlt.s32 v1, $0x50  }
0x1bb: {  	vm15 =	vlt.s32 v3, $0x18F;
	vm0 =	vmand vm1, vm0  }
0x1bc: {  	v2 =	vnsel vm15, $0x18F, v3;
	v1 =	vnsel vm0, $0x0, v1  }
0x1bd: {  	v2 =	vshll.u32 v2, $0x7;
	v3 =	vand.u32 $0xFFFFFF80, v1  }
0x1be: {  	v1 =	vand.u32 $0x7F, v1;
	v2 =	vadd.s32 v2, v3  }
0x1bf: {  	v1 =	vor.u32 v1, v2;
	_ =	sdelay $0x4  }
0x1c0: {  	v1 =	vld.idx.msk [tilespmem:v1+s21+$0x0], $0xffff;
	_ =	sdelay $0x4  }
0x1c1: {  	v1 =	vnsel vm0, $0xC2200000, v1  }
0x1c2: {  	[tilespmem:s29+$0xFFFFFFC0] =	vst v1  }
0x1c3: {  	v1 =	vld [tilespmem:s30+$0xFFFFFFD0];
	_ =	sdelay $0x2  }
0x1c4: {  	s0 =	sadd.s32 $0x970, s31  }
0x1c5: {  	v2 =	vmov s0  }
0x1c6: {  	v3 =	vor.u32 s0, v0;
	vm5 =	vlt.u32 v2, $0x190;
	vm4 =	vlt.s32 v1, $0x50  }
0x1c7: {  	vm6 =	vlt.s32 v3, $0x18F;
	vm0 =	vmand vm5, vm4  }
0x1c8: {  	v2 =	vnsel vm6, $0x18F, v3;
	v1 =	vnsel vm0, $0x0, v1  }
0x1c9: {  	v2 =	vshll.u32 v2, $0x7;
	v3 =	vand.u32 $0xFFFFFF80, v1  }
0x1ca: {  	v1 =	vand.u32 $0x7F, v1;
	v2 =	vadd.s32 v2, v3  }
0x1cb: {  	v1 =	vor.u32 v1, v2;
	_ =	sdelay $0x4  }
0x1cc: {  	v1 =	vld.idx.msk [tilespmem:v1+s21+$0x0], $0xffff;
	_ =	sdelay $0x4  }
0x1cd: {  	v1 =	vnsel vm0, $0xC2200000, v1  }
0x1ce: {  	s1 =	sand.u32 $0x1F0, s26;
	[tilespmem:s29+$0xFFFFFFD0] =	vst v1  }
0x1cf: {  	v1 =	vld [tilespmem:s1+$0x980];
	_ =	sdelay $0x2  }
0x1d0: {  	s0 =	sadd.s32 $0x980, s31  }
0x1d1: {  	v2 =	vmov s0  }
0x1d2: {  	v3 =	vor.u32 s0, v0;
	vm8 =	vlt.u32 v2, $0x190;
	vm7 =	vlt.s32 v1, $0x50  }
0x1d3: {  	vm9 =	vlt.s32 v3, $0x18F;
	vm0 =	vmand vm8, vm7  }
0x1d4: {  	v2 =	vnsel vm9, $0x18F, v3;
	v1 =	vnsel vm0, $0x0, v1  }
0x1d5: {  	v2 =	vshll.u32 v2, $0x7;
	v3 =	vand.u32 $0xFFFFFF80, v1  }
0x1d6: {  	v1 =	vand.u32 $0x7F, v1;
	v2 =	vadd.s32 v2, v3  }
0x1d7: {  	v1 =	vor.u32 v1, v2;
	_ =	sdelay $0x4  }
0x1d8: {  	v1 =	vld.idx.msk [tilespmem:v1+s21+$0x0], $0xffff;
	_ =	sdelay $0x4  }
0x1d9: {  	v1 =	vnsel vm0, $0xC2200000, v1  }
0x1da: {  	[tilespmem:s1+$0xDE00] =	vst v1  }
0x1db: {  	v1 =	vld [tilespmem:s30+$0xFFFFFFF0];
	_ =	sdelay $0x2  }
0x1dc: {  	s1 =	sadd.s32 $0x990, s31  }
0x1dd: {  	v2 =	vmov s1  }
0x1de: {  	v3 =	vor.u32 s1, v0;
	vm11 =	vlt.u32 v2, $0x190;
	vm10 =	vlt.s32 v1, $0x50  }
0x1df: {  	vm12 =	vlt.s32 v3, $0x18F;
	vm0 =	vmand vm11, vm10  }
0x1e0: {  	v2 =	vnsel vm12, $0x18F, v3;
	v1 =	vnsel vm0, $0x0, v1  }
0x1e1: {  	v2 =	vshll.u32 v2, $0x7;
	v3 =	vand.u32 $0xFFFFFF80, v1  }
0x1e2: {  	v1 =	vand.u32 $0x7F, v1;
	v2 =	vadd.s32 v2, v3  }
0x1e3: {  	v1 =	vor.u32 v1, v2;
	_ =	sdelay $0x4  }
0x1e4: {  	v1 =	vld.idx.msk [tilespmem:v1+s21+$0x0], $0xffff;
	_ =	sdelay $0x4  }
0x1e5: {  	v1 =	vnsel vm0, $0xC2200000, v1  }
0x1e6: {  	[tilespmem:s29+$0xFFFFFFF0] =	vst v1  }
0x1e7: {  	v1 =	vld [tilespmem:s30+$0x0];
	_ =	sdelay $0x2  }
0x1e8: {  	s31 =	sadd.s32 $0x9A0, s31  }
0x1e9: {  	v2 =	vmov s31  }
0x1ea: {  	v3 =	vor.u32 s31, v0;
	vm14 =	vlt.u32 v2, $0x190;
	vm13 =	vlt.s32 v1, $0x50  }
0x1eb: {  	vm15 =	vlt.s32 v3, $0x18F;
	vm0 =	vmand vm14, vm13  }
0x1ec: {  	v2 =	vnsel vm15, $0x18F, v3;
	v1 =	vnsel vm0, $0x0, v1  }
0x1ed: {  	v2 =	vshll.u32 v2, $0x7;
	v3 =	vand.u32 $0xFFFFFF80, v1  }
0x1ee: {  	v1 =	vand.u32 $0x7F, v1;
	v2 =	vadd.s32 v2, v3  }
0x1ef: {  	v1 =	vor.u32 v1, v2;
	_ =	sdelay $0x4  }
0x1f0: {  	s28 =	sadd.s32 $0x5, s28;
	v1 =	vld.idx.msk [tilespmem:v1+s21+$0x0], $0xffff  }
0x1f1: {  	p0 =	slt.u32 s28, $0x14  }
.Ltmp6:
0x1f2: {  	_ = 	snop;
	(pc) =	sbr.rel @p0 .LBB2_14-.Ltmp6, $3  }
0x1f3: {  	_ =	sdelay $0x1  }
0x1f4: {  	v1 =	vnsel vm0, $0xC2200000, v1  }
0x1f5: {  	s26 =	sadd.s32 $0x50, s26;
	s30 =	sadd.s32 $0x50, s30;
	[tilespmem:s29+$0x0] =	vst v1;
	s29 =	sadd.s32 $0x50, s29  }
0x1f6: {  	s26 =	simm.s32 $0x0  }
0x1f7: {  	[tilespmem:s21], [sflag:$0x1] =	stream.linear.gather [hbm4b:s11+s26], $0xC800, $0x38;
	[tilespmem:$0xE100] =	vst v63  }
0x1f8: {  	_ =	swait.ge [sflag:s20], $0xC800  }
0x1f9: {  	s28 =	simm.s32 $0xFFFFFFFB;
	[sflag:s20] =	ssyncset.done $0x0  }
0x1fa: {  	s29 =	simm.s32 $0xDFB0;
	s30 =	simm.s32 $0xB30;
	[sflag:s20] =	ssyncadd.s32 $0xFFFF3800  }
.LBB2_16:
0x1fb: {  	v1 =	vld [tilespmem:s30+$0xFFFFFFC0];
	_ =	sdelay $0x1  }
0x1fc: {  	s31 =	sadd.s32 s26, s19  }
0x1fd: {  	s0 =	sadd.s32 $0xAF0, s31  }
0x1fe: {  	v2 =	vmov s0  }
0x1ff: {  	v3 =	vor.u32 s0, v0;
	vm1 =	vlt.u32 v2, $0x190;
	vm0 =	vlt.s32 v1, $0x50  }
0x200: {  	vm15 =	vlt.s32 v3, $0x18F;
	vm0 =	vmand vm1, vm0  }
0x201: {  	v2 =	vnsel vm15, $0x18F, v3;
	v1 =	vnsel vm0, $0x0, v1  }
0x202: {  	v2 =	vshll.u32 v2, $0x7;
	v3 =	vand.u32 $0xFFFFFF80, v1  }
0x203: {  	v1 =	vand.u32 $0x7F, v1;
	v2 =	vadd.s32 v2, v3  }
0x204: {  	v1 =	vor.u32 v1, v2;
	_ =	sdelay $0x4  }
0x205: {  	v1 =	vld.idx.msk [tilespmem:v1+s21+$0x0], $0xffff;
	_ =	sdelay $0x4  }
0x206: {  	v1 =	vnsel vm0, $0xC2200000, v1  }
0x207: {  	s0 =	sand.u32 $0x1F0, s26;
	[tilespmem:s29+$0xFFFFFFC0] =	vst v1  }
0x208: {  	v1 =	vld [tilespmem:s0+$0xB00];
	_ =	sdelay $0x2  }
0x209: {  	s1 =	sadd.s32 $0xB00, s31  }
0x20a: {  	v2 =	vmov s1  }
0x20b: {  	v3 =	vor.u32 s1, v0;
	vm5 =	vlt.u32 v2, $0x190;
	vm4 =	vlt.s32 v1, $0x50  }
0x20c: {  	vm6 =	vlt.s32 v3, $0x18F;
	vm0 =	vmand vm5, vm4  }
0x20d: {  	v2 =	vnsel vm6, $0x18F, v3;
	v1 =	vnsel vm0, $0x0, v1  }
0x20e: {  	v2 =	vshll.u32 v2, $0x7;
	v3 =	vand.u32 $0xFFFFFF80, v1  }
0x20f: {  	v1 =	vand.u32 $0x7F, v1;
	v2 =	vadd.s32 v2, v3  }
0x210: {  	v1 =	vor.u32 v1, v2;
	_ =	sdelay $0x4  }
0x211: {  	v1 =	vld.idx.msk [tilespmem:v1+s21+$0x0], $0xffff;
	_ =	sdelay $0x4  }
0x212: {  	v1 =	vnsel vm0, $0xC2200000, v1  }
0x213: {  	[tilespmem:s0+$0xDF80] =	vst v1  }
0x214: {  	v1 =	vld [tilespmem:s30+$0xFFFFFFE0];
	_ =	sdelay $0x2  }
0x215: {  	s1 =	sadd.s32 $0xB10, s31  }
0x216: {  	v2 =	vmov s1  }
0x217: {  	v3 =	vor.u32 s1, v0;
	vm8 =	vlt.u32 v2, $0x190;
	vm7 =	vlt.s32 v1, $0x50  }
0x218: {  	vm9 =	vlt.s32 v3, $0x18F;
	vm0 =	vmand vm8, vm7  }
0x219: {  	v2 =	vnsel vm9, $0x18F, v3;
	v1 =	vnsel vm0, $0x0, v1  }
0x21a: {  	v2 =	vshll.u32 v2, $0x7;
	v3 =	vand.u32 $0xFFFFFF80, v1  }
0x21b: {  	v1 =	vand.u32 $0x7F, v1;
	v2 =	vadd.s32 v2, v3  }
0x21c: {  	v1 =	vor.u32 v1, v2;
	_ =	sdelay $0x4  }
0x21d: {  	v1 =	vld.idx.msk [tilespmem:v1+s21+$0x0], $0xffff;
	_ =	sdelay $0x4  }
0x21e: {  	v1 =	vnsel vm0, $0xC2200000, v1  }
0x21f: {  	[tilespmem:s29+$0xFFFFFFE0] =	vst v1  }
0x220: {  	v1 =	vld [tilespmem:s30+$0xFFFFFFF0];
	_ =	sdelay $0x2  }
0x221: {  	s1 =	sadd.s32 $0xB20, s31  }
0x222: {  	v2 =	vmov s1  }
0x223: {  	v3 =	vor.u32 s1, v0;
	vm11 =	vlt.u32 v2, $0x190;
	vm10 =	vlt.s32 v1, $0x50  }
0x224: {  	vm12 =	vlt.s32 v3, $0x18F;
	vm0 =	vmand vm11, vm10  }
0x225: {  	v2 =	vnsel vm12, $0x18F, v3;
	v1 =	vnsel vm0, $0x0, v1  }
0x226: {  	v2 =	vshll.u32 v2, $0x7;
	v3 =	vand.u32 $0xFFFFFF80, v1  }
0x227: {  	v1 =	vand.u32 $0x7F, v1;
	v2 =	vadd.s32 v2, v3  }
0x228: {  	v1 =	vor.u32 v1, v2;
	_ =	sdelay $0x4  }
0x229: {  	v1 =	vld.idx.msk [tilespmem:v1+s21+$0x0], $0xffff;
	_ =	sdelay $0x4  }
0x22a: {  	v1 =	vnsel vm0, $0xC2200000, v1  }
0x22b: {  	[tilespmem:s29+$0xFFFFFFF0] =	vst v1  }
0x22c: {  	v1 =	vld [tilespmem:s30+$0x0];
	_ =	sdelay $0x2  }
0x22d: {  	s31 =	sadd.s32 $0xB30, s31  }
0x22e: {  	v2 =	vmov s31  }
0x22f: {  	v3 =	vor.u32 s31, v0;
	vm14 =	vlt.u32 v2, $0x190;
	vm13 =	vlt.s32 v1, $0x50  }
0x230: {  	vm15 =	vlt.s32 v3, $0x18F;
	vm0 =	vmand vm14, vm13  }
0x231: {  	v2 =	vnsel vm15, $0x18F, v3;
	v1 =	vnsel vm0, $0x0, v1  }
0x232: {  	v2 =	vshll.u32 v2, $0x7;
	v3 =	vand.u32 $0xFFFFFF80, v1  }
0x233: {  	v1 =	vand.u32 $0x7F, v1;
	v2 =	vadd.s32 v2, v3  }
0x234: {  	v1 =	vor.u32 v1, v2;
	_ =	sdelay $0x4  }
0x235: {  	s28 =	sadd.s32 $0x5, s28;
	v1 =	vld.idx.msk [tilespmem:v1+s21+$0x0], $0xffff  }
0x236: {  	p0 =	slt.u32 s28, $0x14  }
.Ltmp7:
0x237: {  	_ = 	snop;
	(pc) =	sbr.rel @p0 .LBB2_16-.Ltmp7, $3  }
0x238: {  	_ =	sdelay $0x1  }
0x239: {  	v1 =	vnsel vm0, $0xC2200000, v1  }
0x23a: {  	s26 =	sadd.s32 $0x50, s26;
	s30 =	sadd.s32 $0x50, s30;
	[tilespmem:s29+$0x0] =	vst v1;
	s29 =	sadd.s32 $0x50, s29  }
0x23b: {  	s25 =	sadd.s32 $0x1, s25  }
0x23c: {  	p0 =	sne.s32 s25, s13  }
.Ltmp8:
0x23d: {  	_ = 	snop;
	(pc) =	sbr.rel @p0 .LBB2_1-.Ltmp8, $4  }
0x23e: {  	[hbm4b:s12+s22] =	stream.strided.scatter [tilespmem:s24], [sflag:$0x1], $0xC80, s23, s22, $0x38;
	[tilespmem:$0xE100] =	vst v63  }
0x23f: {  	_ =	swait.ge [sflag:s20], $0xC80  }
0x240: {  	[sflag:s20] =	ssyncset.done $0x0  }
0x241: {  	[sflag:s20] =	ssyncadd.s32 $0xFFFFF380  }
0x242: {  	_ =	sfence.sel $0x180000  }
0x243: {  	[bflag:$0x0] =	sbarrier.arrive $0xFFFF  }
0x244: {  	_ =	strace $0x90000047  }
0x245: {  	s0 =	stileid.u32;
	[bflag:$0x2] =	sbarrier.arrive $0xFFFF  }
0x246: {  	p0 =	sne.s32 s0, $0x0;
	s0 =	rddreg [dreg:$0x1]  }
0x247: {  	s0 =	sadd.s32 @!p0 $0x100000, s0  }
0x248: {  	[sflag:s0] =	ssyncadd.tile.s32 @!p0 $0x1;
	_ =	shalt  }
.Lfunc_end2:
_tile_overlayer_lowered:
.L_overlay_start_2:
0x249: {  	(tag) =	ssettag $0x2  }
0x24a: {  	s0 =	rddreg [dreg:$0x0];
	s2 =	stileid.u32  }
0x24b: {  	s1 =	rddreg [dreg:$0x1];
	p0 =	sne.s32 s2, $0x0  }
0x24c: {  	s3 =	rddreg [dreg:$0x2];
	[bflag:$0x3] =	sbarrier.arrive $0xFFFF;
	s2 =	simm.s32 @!p0 $0x1C01  }
0x24d: {  	[timem:s3], [sflag:s2] =	dma.local @!p0 [hbm:s0], s1  }
0x24e: {  	s0 =	simm.s32 @!p0 $0x1  }
0x24f: {  	_ =	swait.ge @!p0 [sflag:s0], s1  }
0x250: {  	s1 =	ssub.s32 @!p0 $0x0, s1;
	[sflag:s0] =	ssyncset.done @!p0 $0x0  }
0x251: {  	[sflag:s0] =	ssyncadd.s32 @!p0 s1  }
0x252: {  	[bflag:$0x3] =	sbarrier.arrive $0xFFFF  }
0x253: {  	_ =	shalt  }

</sc_bundles>
